<compile_context>
chip_gen: v7x
topology: tpu7x:2x2x1
jax: 0.10.2.dev20260603
libtpu: 0.0.44.dev20260713+nightly
codegen_flags: <defaults>
</compile_context>

<pallas_src>
import functools

import jax
import jax.numpy as jnp
from jax import lax
from jax.experimental import pallas as pl
from jax.experimental.pallas import tpu as pltpu
from jax.experimental.pallas import tpu_sc as plsc

N_NODES, N_EDGES, DIM = 10000, 320000, 128

NC, NS = 2, 16
NW = NC * NS
CHUNK = 112
EPT = 10080
E_PAD = NW * EPT
NCHUNK = EPT // CHUNK
N_PAD = 10240
RPT = N_PAD // NS
BLK = 2000
RBLK = 2000


ER = N_EDGES // 128
PR = E_PAD // 128 - ER


def _relu_body(x_ref, o_ref):
    o_ref[...] = jnp.maximum(x_ref[...], 0.0)


def _pad_body(e_ref, sp_ref, dp_ref):
    sp_ref[0:ER] = e_ref[0]
    dp_ref[0:ER] = e_ref[1]
    g = (lax.broadcasted_iota(jnp.int32, (PR, 128), 0) * 128
         + lax.broadcasted_iota(jnp.int32, (PR, 128), 1))
    sp_ref[ER:ER + PR] = g % N_NODES
    dp_ref[ER:ER + PR] = N_NODES + g % (N_PAD - N_NODES)


def _mlp_body(x_ref, a0_ref, a1_ref, w1_ref, b1_ref, w2_ref, b2_ref,
              eps_ref, o_ref):
    h = x_ref[...] * (1.0 + eps_ref[0, 0]) + a0_ref[0] + a1_ref[0]
    h = jnp.dot(h, w1_ref[...], preferred_element_type=jnp.float32)
    h = jnp.maximum(h + b1_ref[...], 0.0)
    o = jnp.dot(h, w2_ref[...], preferred_element_type=jnp.float32)
    o_ref[...] = o + b2_ref[...]


NB = 3
UNROLL = 3
NROUND = NCHUNK // UNROLL


def _sc_agg_body(xr_hbm, src_hbm, dst_hbm, zeros_hbm, agg_hbm, *rest):
    sidx = rest[0:NB]
    didx = rest[NB:2 * NB]
    rows = rest[2 * NB:3 * NB]
    isem = rest[3 * NB:4 * NB]
    gsem = rest[4 * NB:5 * NB]
    acc = rest[5 * NB]

    c = lax.axis_index("c")
    s = lax.axis_index("s")
    wid = s * NC + c
    base = wid * EPT
    last_off = base + (NCHUNK - 1) * CHUNK

    def idx_start(off, b):
        pltpu.make_async_copy(src_hbm.at[pl.ds(off, CHUNK)], sidx[b],
                              isem[b]).start()
        pltpu.make_async_copy(dst_hbm.at[pl.ds(off, CHUNK)], didx[b],
                              isem[b]).start()

    def idx_wait(b):
        pltpu.make_async_copy(src_hbm.at[pl.ds(base, CHUNK)], sidx[b],
                              isem[b]).wait()
        pltpu.make_async_copy(dst_hbm.at[pl.ds(base, CHUNK)], didx[b],
                              isem[b]).wait()

    def g_start(b):
        pltpu.make_async_copy(xr_hbm.at[sidx[b]], rows[b], gsem[b]).start()

    def g_wait(b):
        pltpu.make_async_copy(xr_hbm.at[sidx[b]], rows[b], gsem[b]).wait()

    for j in range(NB):
        idx_start(base + j * CHUNK, j)
    idx_wait(0)
    g_start(0)
    idx_wait(1)
    g_start(1)
    pltpu.sync_copy(zeros_hbm, acc.at[pl.ds(s * RPT, RPT)])
    plsc.subcore_barrier()

    def round_body(r, carry):
        k0 = r * UNROLL
        for u in range(UNROLL):
            k = k0 + u
            s0 = u % NB
            s2 = (u + 2) % NB
            g_wait(s0)
            idx_wait(s2)
            g_start(s2)
            pltpu.sync_copy(rows[s0], acc.at[didx[s0]], add=True)
            off = jnp.minimum(base + (k + NB) * CHUNK, last_off)
            idx_start(off, s0)
        return carry

    lax.fori_loop(0, NROUND, round_body, 0)

    g_wait(0)
    g_wait(1)
    idx_wait(2)

    plsc.subcore_barrier()
    pltpu.sync_copy(acc.at[pl.ds(s * RPT, RPT)],
                    agg_hbm.at[pl.ds(c * N_PAD + s * RPT, RPT)])


def kernel(x, edge_index, W1, b1, W2, b2, eps):
    edge3d = edge_index.reshape(2, ER, 128)
    sp, dp = pl.pallas_call(
        _pad_body,
        out_shape=[
            jax.ShapeDtypeStruct((ER + PR, 128), jnp.int32),
            jax.ShapeDtypeStruct((ER + PR, 128), jnp.int32),
        ],
    )(edge3d)
    src = sp.reshape(E_PAD)
    dst = dp.reshape(E_PAD)

    xr = pl.pallas_call(
        _relu_body,
        grid=(N_NODES // RBLK,),
        in_specs=[pl.BlockSpec((RBLK, DIM), lambda i: (i, 0))],
        out_specs=pl.BlockSpec((RBLK, DIM), lambda i: (i, 0)),
        out_shape=jax.ShapeDtypeStruct((N_NODES, DIM), jnp.float32),
    )(x)

    agg_fn = pl.kernel(
        _sc_agg_body,
        out_type=jax.ShapeDtypeStruct((NC * N_PAD, DIM), jnp.float32),
        mesh=plsc.VectorSubcoreMesh(core_axis_name="c", subcore_axis_name="s"),
        scratch_types=(
            [pltpu.VMEM((CHUNK,), jnp.int32)] * NB
            + [pltpu.VMEM((CHUNK,), jnp.int32)] * NB
            + [pltpu.VMEM((CHUNK, DIM), jnp.float32)] * NB
            + [pltpu.SemaphoreType.DMA] * NB
            + [pltpu.SemaphoreType.DMA] * NB
            + [pltpu.VMEM_SHARED((N_PAD, DIM), jnp.float32)]
        ),
    )
    aggp = agg_fn(xr, src, dst, jnp.zeros((RPT, DIM), jnp.float32))
    agg3d = aggp.reshape(NC, N_PAD, DIM)

    out = pl.pallas_call(
        _mlp_body,
        grid=(N_NODES // BLK,),
        in_specs=[
            pl.BlockSpec((BLK, DIM), lambda i: (i, 0)),
            pl.BlockSpec((1, BLK, DIM), lambda i: (0, i, 0)),
            pl.BlockSpec((1, BLK, DIM), lambda i: (1, i, 0)),
            pl.BlockSpec((DIM, DIM), lambda i: (0, 0)),
            pl.BlockSpec((1, DIM), lambda i: (0, 0)),
            pl.BlockSpec((DIM, DIM), lambda i: (0, 0)),
            pl.BlockSpec((1, DIM), lambda i: (0, 0)),
            pl.BlockSpec((1, 1), lambda i: (0, 0), memory_space=pltpu.SMEM),
        ],
        out_specs=pl.BlockSpec((BLK, DIM), lambda i: (i, 0)),
        out_shape=jax.ShapeDtypeStruct((N_NODES, DIM), jnp.float32),
    )(x, agg3d, agg3d, W1, b1.reshape(1, DIM), W2, b2.reshape(1, DIM),
      eps.reshape(1, 1))
    return out

# --- scband reference (transcript-rebuilt; emitter-appended) ---
"""Pipeline reference for scband-gineconv-29832842838837 (READ-ONLY COPY).

The authoritative reference and input builder live on the scoring server;
editing this copy changes nothing except your own understanding.
"""

import jax, jax.numpy as jnp
import numpy as np

N, E, D = 10000, 320000, 128

def setup_inputs(seed: int = 0) -> dict:
    key = jax.random.key(seed)
    k1, k2, k3, k4, k5, k6 = jax.random.split(key, 6)
    x = jax.random.normal(k1, (N, D), dtype=jnp.float32)
    edge_index = jax.random.randint(k2, (2, E), 0, N, dtype=jnp.int32)
    s1 = 1.0 / np.sqrt(D)
    W1 = jax.random.uniform(k3, (D, D), dtype=jnp.float32, minval=-s1, maxval=s1)
    b1 = jax.random.uniform(k4, (D,), dtype=jnp.float32, minval=-s1, maxval=s1)
    W2 = jax.random.uniform(k5, (D, D), dtype=jnp.float32, minval=-s1, maxval=s1)
    b2 = jax.random.uniform(k6, (D,), dtype=jnp.float32, minval=-s1, maxval=s1)
    eps = jnp.zeros((), dtype=jnp.float32)  # train_eps=True, initialized to 0
    return {"x": x, "edge_index": edge_index, "W1": W1, "b1": b1, "W2": W2, "b2": b2, "eps": eps}

def reference(x, edge_index, W1, b1, W2, b2, eps):
    # GINEConv (edge_attr absent -> treated as zero):
    #   m_j = ReLU(x_j + edge_attr) = ReLU(x_j)
    #   h_i = (1 + eps) * x_i + sum_{j in N(i)} m_j
    #   out = MLP(h) with MLP = Linear -> ReLU -> Linear (no final activation)
    src = edge_index[0]
    dst = edge_index[1]
    m = jax.nn.relu(jnp.take(x, src, axis=0))
    agg = jax.ops.segment_sum(m, dst, num_segments=x.shape[0])
    h = (1.0 + eps) * x + agg
    h = jax.nn.relu(h @ W1 + b1)
    out = h @ W2 + b2
    return out

if __name__ == "__main__":
    import jax
    _d = setup_inputs()
    print(jax.jit(kernel)(*tuple(_d.values())))

</pallas_src>

<mosaic_0001>
#map = affine_map<(d0, d1) -> (0, 0)>
#map1 = affine_map<(d0, d1) -> (0)>
module attributes {stable_mosaic.version = 14 : i64} {
  func.func @_sc_agg_body(%arg0: i32, %arg1: i32, %arg2: memref<10000x128xf32, #tpu.memory_space<hbm>>, %arg3: memref<322560xi32, #tpu.memory_space<hbm>>, %arg4: memref<322560xi32, #tpu.memory_space<hbm>>, %arg5: memref<640x128xf32, #tpu.memory_space<hbm>>, %arg6: memref<20480x128xf32, #tpu.memory_space<hbm>>, %arg7: memref<112xi32, #tpu.memory_space<vmem>>, %arg8: memref<112xi32, #tpu.memory_space<vmem>>, %arg9: memref<112xi32, #tpu.memory_space<vmem>>, %arg10: memref<112xi32, #tpu.memory_space<vmem>>, %arg11: memref<112xi32, #tpu.memory_space<vmem>>, %arg12: memref<112xi32, #tpu.memory_space<vmem>>, %arg13: memref<112x128xf32, #tpu.memory_space<vmem>>, %arg14: memref<112x128xf32, #tpu.memory_space<vmem>>, %arg15: memref<112x128xf32, #tpu.memory_space<vmem>>, %arg16: memref<!tpu.dma_semaphore, #tpu.memory_space<semaphore_mem>>, %arg17: memref<!tpu.dma_semaphore, #tpu.memory_space<semaphore_mem>>, %arg18: memref<!tpu.dma_semaphore, #tpu.memory_space<semaphore_mem>>, %arg19: memref<!tpu.dma_semaphore, #tpu.memory_space<semaphore_mem>>, %arg20: memref<!tpu.dma_semaphore, #tpu.memory_space<semaphore_mem>>, %arg21: memref<!tpu.dma_semaphore, #tpu.memory_space<semaphore_mem>>, %arg22: memref<10240x128xf32, #tpu.memory_space<vmem_shared>>) attributes {dimension_semantics = [#tpu.dimension_semantics<core_parallel>, #tpu.dimension_semantics<subcore_parallel>], iteration_bounds = array<i64: 2, 16>, scalar_prefetch = 0 : i64, scratch_operands = 16 : i64, tpu.core_type = #tpu.core_type<sc_vector_subcore>, window_params = [{transform_indices = #map}, {transform_indices = #map1}, {transform_indices = #map1}, {transform_indices = #map}, {transform_indices = #map}]} {
    %mul3A = arith.constant 2 : i32
    %mul3A_0 = arith.muli %arg1, %mul3A : i32
    %add3A = arith.addi %mul3A_0, %arg0 : i32
    %mul3A_1 = arith.constant 10080 : i32
    %mul3A_2 = arith.muli %add3A, %mul3A_1 : i32
    %add3A_3 = arith.constant 9968 : i32
    %add3A_4 = arith.addi %mul3A_2, %add3A_3 : i32
    %add3A_5 = arith.constant 0 : i32
    %add3A_6 = arith.addi %mul3A_2, %add3A_5 : i32
    %dma_start3A = tpu.memref_slice %arg3[%add3A_6] : memref<322560xi32, #tpu.memory_space<hbm>> -> memref<112xi32, #tpu.memory_space<hbm>>
    %dma_start3A_7 = tpu.memref_slice %arg3[%add3A_6] : memref<322560xi32, #tpu.memory_space<hbm>> -> memref<112xi32, #tpu.memory_space<hbm>>
    tpu.enqueue_dma source(%dma_start3A_7 : memref<112xi32, #tpu.memory_space<hbm>>) target(%arg7 : memref<112xi32, #tpu.memory_space<vmem>>) target_semaphore(%arg16 : memref<!tpu.dma_semaphore, #tpu.memory_space<semaphore_mem>>)
    %dma_start3A_8 = tpu.memref_slice %arg4[%add3A_6] : memref<322560xi32, #tpu.memory_space<hbm>> -> memref<112xi32, #tpu.memory_space<hbm>>
    %dma_start3A_9 = tpu.memref_slice %arg4[%add3A_6] : memref<322560xi32, #tpu.memory_space<hbm>> -> memref<112xi32, #tpu.memory_space<hbm>>
    tpu.enqueue_dma source(%dma_start3A_9 : memref<112xi32, #tpu.memory_space<hbm>>) target(%arg10 : memref<112xi32, #tpu.memory_space<vmem>>) target_semaphore(%arg16 : memref<!tpu.dma_semaphore, #tpu.memory_space<semaphore_mem>>)
    %add3A_10 = arith.constant 112 : i32
    %add3A_11 = arith.addi %mul3A_2, %add3A_10 : i32
    %dma_start3A_12 = tpu.memref_slice %arg3[%add3A_11] : memref<322560xi32, #tpu.memory_space<hbm>> -> memref<112xi32, #tpu.memory_space<hbm>>
    %dma_start3A_13 = tpu.memref_slice %arg3[%add3A_11] : memref<322560xi32, #tpu.memory_space<hbm>> -> memref<112xi32, #tpu.memory_space<hbm>>
    tpu.enqueue_dma source(%dma_start3A_13 : memref<112xi32, #tpu.memory_space<hbm>>) target(%arg8 : memref<112xi32, #tpu.memory_space<vmem>>) target_semaphore(%arg17 : memref<!tpu.dma_semaphore, #tpu.memory_space<semaphore_mem>>)
    %dma_start3A_14 = tpu.memref_slice %arg4[%add3A_11] : memref<322560xi32, #tpu.memory_space<hbm>> -> memref<112xi32, #tpu.memory_space<hbm>>
    %dma_start3A_15 = tpu.memref_slice %arg4[%add3A_11] : memref<322560xi32, #tpu.memory_space<hbm>> -> memref<112xi32, #tpu.memory_space<hbm>>
    tpu.enqueue_dma source(%dma_start3A_15 : memref<112xi32, #tpu.memory_space<hbm>>) target(%arg11 : memref<112xi32, #tpu.memory_space<vmem>>) target_semaphore(%arg17 : memref<!tpu.dma_semaphore, #tpu.memory_space<semaphore_mem>>)
    %add3A_16 = arith.constant 224 : i32
    %add3A_17 = arith.addi %mul3A_2, %add3A_16 : i32
    %dma_start3A_18 = tpu.memref_slice %arg3[%add3A_17] : memref<322560xi32, #tpu.memory_space<hbm>> -> memref<112xi32, #tpu.memory_space<hbm>>
    %dma_start3A_19 = tpu.memref_slice %arg3[%add3A_17] : memref<322560xi32, #tpu.memory_space<hbm>> -> memref<112xi32, #tpu.memory_space<hbm>>
    tpu.enqueue_dma source(%dma_start3A_19 : memref<112xi32, #tpu.memory_space<hbm>>) target(%arg9 : memref<112xi32, #tpu.memory_space<vmem>>) target_semaphore(%arg18 : memref<!tpu.dma_semaphore, #tpu.memory_space<semaphore_mem>>)
    %dma_start3A_20 = tpu.memref_slice %arg4[%add3A_17] : memref<322560xi32, #tpu.memory_space<hbm>> -> memref<112xi32, #tpu.memory_space<hbm>>
    %dma_start3A_21 = tpu.memref_slice %arg4[%add3A_17] : memref<322560xi32, #tpu.memory_space<hbm>> -> memref<112xi32, #tpu.memory_space<hbm>>
    tpu.enqueue_dma source(%dma_start3A_21 : memref<112xi32, #tpu.memory_space<hbm>>) target(%arg12 : memref<112xi32, #tpu.memory_space<vmem>>) target_semaphore(%arg18 : memref<!tpu.dma_semaphore, #tpu.memory_space<semaphore_mem>>)
    %dma_wait3A = tpu.memref_slice %arg3[%mul3A_2] : memref<322560xi32, #tpu.memory_space<hbm>> -> memref<112xi32, #tpu.memory_space<hbm>>
    %dma_wait3A_22 = tpu.memref_slice %arg3[%mul3A_2] : memref<322560xi32, #tpu.memory_space<hbm>> -> memref<112xi32, #tpu.memory_space<hbm>>
    tpu.wait_dma2 semaphore(%arg16 : memref<!tpu.dma_semaphore, #tpu.memory_space<semaphore_mem>>) src(%dma_wait3A_22 : memref<112xi32, #tpu.memory_space<hbm>>) dst(%arg7 : memref<112xi32, #tpu.memory_space<vmem>>)
    %dma_wait3A_23 = tpu.memref_slice %arg4[%mul3A_2] : memref<322560xi32, #tpu.memory_space<hbm>> -> memref<112xi32, #tpu.memory_space<hbm>>
    %dma_wait3A_24 = tpu.memref_slice %arg4[%mul3A_2] : memref<322560xi32, #tpu.memory_space<hbm>> -> memref<112xi32, #tpu.memory_space<hbm>>
    tpu.wait_dma2 semaphore(%arg16 : memref<!tpu.dma_semaphore, #tpu.memory_space<semaphore_mem>>) src(%dma_wait3A_24 : memref<112xi32, #tpu.memory_space<hbm>>) dst(%arg10 : memref<112xi32, #tpu.memory_space<vmem>>)
    %dma_start3A_25 = arith.constant 0 : i32
    %dma_start3A_26 = arith.constant 0 : i32
    %dma_start3A_27 = tpu.memref_slice %arg2[%dma_start3A_25, %dma_start3A_26] : memref<10000x128xf32, #tpu.memory_space<hbm>> -> memref<10000x128xf32, #tpu.memory_space<hbm>>
    tpu.enqueue_indirect_dma source(%dma_start3A_27 : memref<10000x128xf32, #tpu.memory_space<hbm>>) target(%arg13 : memref<112x128xf32, #tpu.memory_space<vmem>>) offsets(%arg7 : memref<112xi32, #tpu.memory_space<vmem>>) semaphore(%arg19 : memref<!tpu.dma_semaphore, #tpu.memory_space<semaphore_mem>>)
    %dma_wait3A_28 = tpu.memref_slice %arg3[%mul3A_2] : memref<322560xi32, #tpu.memory_space<hbm>> -> memref<112xi32, #tpu.memory_space<hbm>>
    %dma_wait3A_29 = tpu.memref_slice %arg3[%mul3A_2] : memref<322560xi32, #tpu.memory_space<hbm>> -> memref<112xi32, #tpu.memory_space<hbm>>
    tpu.wait_dma2 semaphore(%arg17 : memref<!tpu.dma_semaphore, #tpu.memory_space<semaphore_mem>>) src(%dma_wait3A_29 : memref<112xi32, #tpu.memory_space<hbm>>) dst(%arg8 : memref<112xi32, #tpu.memory_space<vmem>>)
    %dma_wait3A_30 = tpu.memref_slice %arg4[%mul3A_2] : memref<322560xi32, #tpu.memory_space<hbm>> -> memref<112xi32, #tpu.memory_space<hbm>>
    %dma_wait3A_31 = tpu.memref_slice %arg4[%mul3A_2] : memref<322560xi32, #tpu.memory_space<hbm>> -> memref<112xi32, #tpu.memory_space<hbm>>
    tpu.wait_dma2 semaphore(%arg17 : memref<!tpu.dma_semaphore, #tpu.memory_space<semaphore_mem>>) src(%dma_wait3A_31 : memref<112xi32, #tpu.memory_space<hbm>>) dst(%arg11 : memref<112xi32, #tpu.memory_space<vmem>>)
    %dma_start3A_32 = arith.constant 0 : i32
    %dma_start3A_33 = arith.constant 0 : i32
    %dma_start3A_34 = tpu.memref_slice %arg2[%dma_start3A_32, %dma_start3A_33] : memref<10000x128xf32, #tpu.memory_space<hbm>> -> memref<10000x128xf32, #tpu.memory_space<hbm>>
    tpu.enqueue_indirect_dma source(%dma_start3A_34 : memref<10000x128xf32, #tpu.memory_space<hbm>>) target(%arg14 : memref<112x128xf32, #tpu.memory_space<vmem>>) offsets(%arg8 : memref<112xi32, #tpu.memory_space<vmem>>) semaphore(%arg20 : memref<!tpu.dma_semaphore, #tpu.memory_space<semaphore_mem>>)
    %mul3A_35 = arith.constant 640 : i32
    %mul3A_36 = arith.muli %arg1, %mul3A_35 : i32
    "tpu.region"() ({
      %run_scoped3A = tpu.sem_alloc : memref<!tpu.dma_semaphore, #tpu.memory_space<semaphore_mem>>
      %dma_start3A_60 = arith.constant 0 : i32
      %dma_start3A_61 = tpu.memref_slice %arg22[%mul3A_36, %dma_start3A_60] : memref<10240x128xf32, #tpu.memory_space<vmem_shared>> -> memref<640x128xf32, #tpu.memory_space<vmem_shared>>
      tpu.enqueue_dma source(%arg5 : memref<640x128xf32, #tpu.memory_space<hbm>>) target(%dma_start3A_61 : memref<640x128xf32, #tpu.memory_space<vmem_shared>>) target_semaphore(%run_scoped3A : memref<!tpu.dma_semaphore, #tpu.memory_space<semaphore_mem>>)
      %dma_wait3A_62 = arith.constant 0 : i32
      %dma_wait3A_63 = tpu.memref_slice %arg22[%mul3A_36, %dma_wait3A_62] : memref<10240x128xf32, #tpu.memory_space<vmem_shared>> -> memref<640x128xf32, #tpu.memory_space<vmem_shared>>
      tpu.wait_dma2 semaphore(%run_scoped3A : memref<!tpu.dma_semaphore, #tpu.memory_space<semaphore_mem>>) src(%arg5 : memref<640x128xf32, #tpu.memory_space<hbm>>) dst(%dma_wait3A_63 : memref<640x128xf32, #tpu.memory_space<vmem_shared>>)
      tpu.yield
    }) : () -> ()
    %barrier3A = arith.constant 0 : index
    tpu.barrier barrier_id(%barrier3A)
    %scan3A = arith.constant 0 : i32
    %scan3A_37 = arith.constant 0 : i32
    %scan3A_38 = arith.constant 30 : i32
    %scan3A_39 = arith.addi %scan3A_37, %scan3A_38 : i32
    %scan3A_40 = arith.constant 1 : i32
    scf.for %scan3A_60 = %scan3A_37 to %scan3A_39 step %scan3A_40  : i32 {
      %mul3A_61 = arith.constant 3 : i32
      %mul3A_62 = arith.muli %scan3A_60, %mul3A_61 : i32
      %add3A_63 = arith.constant 0 : i32
      %add3A_64 = arith.addi %mul3A_62, %add3A_63 : i32
      %dma_wait3A_65 = arith.constant 0 : i32
      %dma_wait3A_66 = arith.constant 0 : i32
      %dma_wait3A_67 = tpu.memref_slice %arg2[%dma_wait3A_65, %dma_wait3A_66] : memref<10000x128xf32, #tpu.memory_space<hbm>> -> memref<10000x128xf32, #tpu.memory_space<hbm>>
      tpu.wait_indirect_dma semaphore(%arg19 : memref<!tpu.dma_semaphore, #tpu.memory_space<semaphore_mem>>) src(%dma_wait3A_67 : memref<10000x128xf32, #tpu.memory_space<hbm>>) dst(%arg13 : memref<112x128xf32, #tpu.memory_space<vmem>>)
      %dma_wait3A_68 = tpu.memref_slice %arg3[%mul3A_2] : memref<322560xi32, #tpu.memory_space<hbm>> -> memref<112xi32, #tpu.memory_space<hbm>>
      %dma_wait3A_69 = tpu.memref_slice %arg3[%mul3A_2] : memref<322560xi32, #tpu.memory_space<hbm>> -> memref<112xi32, #tpu.memory_space<hbm>>
      tpu.wait_dma2 semaphore(%arg18 : memref<!tpu.dma_semaphore, #tpu.memory_space<semaphore_mem>>) src(%dma_wait3A_69 : memref<112xi32, #tpu.memory_space<hbm>>) dst(%arg9 : memref<112xi32, #tpu.memory_space<vmem>>)
      %dma_wait3A_70 = tpu.memref_slice %arg4[%mul3A_2] : memref<322560xi32, #tpu.memory_space<hbm>> -> memref<112xi32, #tpu.memory_space<hbm>>
      %dma_wait3A_71 = tpu.memref_slice %arg4[%mul3A_2] : memref<322560xi32, #tpu.memory_space<hbm>> -> memref<112xi32, #tpu.memory_space<hbm>>
      tpu.wait_dma2 semaphore(%arg18 : memref<!tpu.dma_semaphore, #tpu.memory_space<semaphore_mem>>) src(%dma_wait3A_71 : memref<112xi32, #tpu.memory_space<hbm>>) dst(%arg12 : memref<112xi32, #tpu.memory_space<vmem>>)
      %dma_start3A_72 = arith.constant 0 : i32
      %dma_start3A_73 = arith.constant 0 : i32
      %dma_start3A_74 = tpu.memref_slice %arg2[%dma_start3A_72, %dma_start3A_73] : memref<10000x128xf32, #tpu.memory_space<hbm>> -> memref<10000x128xf32, #tpu.memory_space<hbm>>
      tpu.enqueue_indirect_dma source(%dma_start3A_74 : memref<10000x128xf32, #tpu.memory_space<hbm>>) target(%arg15 : memref<112x128xf32, #tpu.memory_space<vmem>>) offsets(%arg9 : memref<112xi32, #tpu.memory_space<vmem>>) semaphore(%arg21 : memref<!tpu.dma_semaphore, #tpu.memory_space<semaphore_mem>>)
      "tpu.region"() ({
        %run_scoped3A = tpu.sem_alloc : memref<!tpu.dma_semaphore, #tpu.memory_space<semaphore_mem>>
        %dma_start3A_128 = arith.constant 0 : i32
        %dma_start3A_129 = arith.constant 0 : i32
        %dma_start3A_130 = tpu.memref_slice %arg22[%dma_start3A_128, %dma_start3A_129] : memref<10240x128xf32, #tpu.memory_space<vmem_shared>> -> memref<10240x128xf32, #tpu.memory_space<vmem_shared>>
        tpu.enqueue_indirect_dma source(%arg13 : memref<112x128xf32, #tpu.memory_space<vmem>>) target(%dma_start3A_130 : memref<10240x128xf32, #tpu.memory_space<vmem_shared>>) offsets(%arg10 : memref<112xi32, #tpu.memory_space<vmem>>) semaphore(%run_scoped3A : memref<!tpu.dma_semaphore, #tpu.memory_space<semaphore_mem>>) {add = true}
        %dma_wait3A_131 = arith.constant 0 : i32
        %dma_wait3A_132 = arith.constant 0 : i32
        %dma_wait3A_133 = tpu.memref_slice %arg22[%dma_wait3A_131, %dma_wait3A_132] : memref<10240x128xf32, #tpu.memory_space<vmem_shared>> -> memref<10240x128xf32, #tpu.memory_space<vmem_shared>>
        tpu.wait_indirect_dma semaphore(%run_scoped3A : memref<!tpu.dma_semaphore, #tpu.memory_space<semaphore_mem>>) src(%arg13 : memref<112x128xf32, #tpu.memory_space<vmem>>) dst(%dma_wait3A_133 : memref<10240x128xf32, #tpu.memory_space<vmem_shared>>)
        tpu.yield
      }) : () -> ()
      %add3A_75 = arith.constant 3 : i32
      %add3A_76 = arith.addi %add3A_64, %add3A_75 : i32
      %mul3A_77 = arith.constant 112 : i32
      %mul3A_78 = arith.muli %add3A_76, %mul3A_77 : i32
      %add3A_79 = arith.addi %mul3A_2, %mul3A_78 : i32
      %min3A = arith.minsi %add3A_79, %add3A_4 : i32
      %dma_start3A_80 = tpu.memref_slice %arg3[%min3A] : memref<322560xi32, #tpu.memory_space<hbm>> -> memref<112xi32, #tpu.memory_space<hbm>>
      %dma_start3A_81 = tpu.memref_slice %arg3[%min3A] : memref<322560xi32, #tpu.memory_space<hbm>> -> memref<112xi32, #tpu.memory_space<hbm>>
      tpu.enqueue_dma source(%dma_start3A_81 : memref<112xi32, #tpu.memory_space<hbm>>) target(%arg7 : memref<112xi32, #tpu.memory_space<vmem>>) target_semaphore(%arg16 : memref<!tpu.dma_semaphore, #tpu.memory_space<semaphore_mem>>)
      %dma_start3A_82 = tpu.memref_slice %arg4[%min3A] : memref<322560xi32, #tpu.memory_space<hbm>> -> memref<112xi32, #tpu.memory_space<hbm>>
      %dma_start3A_83 = tpu.memref_slice %arg4[%min3A] : memref<322560xi32, #tpu.memory_space<hbm>> -> memref<112xi32, #tpu.memory_space<hbm>>
      tpu.enqueue_dma source(%dma_start3A_83 : memref<112xi32, #tpu.memory_space<hbm>>) target(%arg10 : memref<112xi32, #tpu.memory_space<vmem>>) target_semaphore(%arg16 : memref<!tpu.dma_semaphore, #tpu.memory_space<semaphore_mem>>)
      %add3A_84 = arith.constant 1 : i32
      %add3A_85 = arith.addi %mul3A_62, %add3A_84 : i32
      %dma_wait3A_86 = arith.constant 0 : i32
      %dma_wait3A_87 = arith.constant 0 : i32
      %dma_wait3A_88 = tpu.memref_slice %arg2[%dma_wait3A_86, %dma_wait3A_87] : memref<10000x128xf32, #tpu.memory_space<hbm>> -> memref<10000x128xf32, #tpu.memory_space<hbm>>
      tpu.wait_indirect_dma semaphore(%arg20 : memref<!tpu.dma_semaphore, #tpu.memory_space<semaphore_mem>>) src(%dma_wait3A_88 : memref<10000x128xf32, #tpu.memory_space<hbm>>) dst(%arg14 : memref<112x128xf32, #tpu.memory_space<vmem>>)
      %dma_wait3A_89 = tpu.memref_slice %arg3[%mul3A_2] : memref<322560xi32, #tpu.memory_space<hbm>> -> memref<112xi32, #tpu.memory_space<hbm>>
      %dma_wait3A_90 = tpu.memref_slice %arg3[%mul3A_2] : memref<322560xi32, #tpu.memory_space<hbm>> -> memref<112xi32, #tpu.memory_space<hbm>>
      tpu.wait_dma2 semaphore(%arg16 : memref<!tpu.dma_semaphore, #tpu.memory_space<semaphore_mem>>) src(%dma_wait3A_90 : memref<112xi32, #tpu.memory_space<hbm>>) dst(%arg7 : memref<112xi32, #tpu.memory_space<vmem>>)
      %dma_wait3A_91 = tpu.memref_slice %arg4[%mul3A_2] : memref<322560xi32, #tpu.memory_space<hbm>> -> memref<112xi32, #tpu.memory_space<hbm>>
      %dma_wait3A_92 = tpu.memref_slice %arg4[%mul3A_2] : memref<322560xi32, #tpu.memory_space<hbm>> -> memref<112xi32, #tpu.memory_space<hbm>>
      tpu.wait_dma2 semaphore(%arg16 : memref<!tpu.dma_semaphore, #tpu.memory_space<semaphore_mem>>) src(%dma_wait3A_92 : memref<112xi32, #tpu.memory_space<hbm>>) dst(%arg10 : memref<112xi32, #tpu.memory_space<vmem>>)
      %dma_start3A_93 = arith.constant 0 : i32
      %dma_start3A_94 = arith.constant 0 : i32
      %dma_start3A_95 = tpu.memref_slice %arg2[%dma_start3A_93, %dma_start3A_94] : memref<10000x128xf32, #tpu.memory_space<hbm>> -> memref<10000x128xf32, #tpu.memory_space<hbm>>
      tpu.enqueue_indirect_dma source(%dma_start3A_95 : memref<10000x128xf32, #tpu.memory_space<hbm>>) target(%arg13 : memref<112x128xf32, #tpu.memory_space<vmem>>) offsets(%arg7 : memref<112xi32, #tpu.memory_space<vmem>>) semaphore(%arg19 : memref<!tpu.dma_semaphore, #tpu.memory_space<semaphore_mem>>)
      "tpu.region"() ({
        %run_scoped3A = tpu.sem_alloc : memref<!tpu.dma_semaphore, #tpu.memory_space<semaphore_mem>>
        %dma_start3A_128 = arith.constant 0 : i32
        %dma_start3A_129 = arith.constant 0 : i32
        %dma_start3A_130 = tpu.memref_slice %arg22[%dma_start3A_128, %dma_start3A_129] : memref<10240x128xf32, #tpu.memory_space<vmem_shared>> -> memref<10240x128xf32, #tpu.memory_space<vmem_shared>>
        tpu.enqueue_indirect_dma source(%arg14 : memref<112x128xf32, #tpu.memory_space<vmem>>) target(%dma_start3A_130 : memref<10240x128xf32, #tpu.memory_space<vmem_shared>>) offsets(%arg11 : memref<112xi32, #tpu.memory_space<vmem>>) semaphore(%run_scoped3A : memref<!tpu.dma_semaphore, #tpu.memory_space<semaphore_mem>>) {add = true}
        %dma_wait3A_131 = arith.constant 0 : i32
        %dma_wait3A_132 = arith.constant 0 : i32
        %dma_wait3A_133 = tpu.memref_slice %arg22[%dma_wait3A_131, %dma_wait3A_132] : memref<10240x128xf32, #tpu.memory_space<vmem_shared>> -> memref<10240x128xf32, #tpu.memory_space<vmem_shared>>
        tpu.wait_indirect_dma semaphore(%run_scoped3A : memref<!tpu.dma_semaphore, #tpu.memory_space<semaphore_mem>>) src(%arg14 : memref<112x128xf32, #tpu.memory_space<vmem>>) dst(%dma_wait3A_133 : memref<10240x128xf32, #tpu.memory_space<vmem_shared>>)
        tpu.yield
      }) : () -> ()
      %add3A_96 = arith.constant 3 : i32
      %add3A_97 = arith.addi %add3A_85, %add3A_96 : i32
      %mul3A_98 = arith.constant 112 : i32
      %mul3A_99 = arith.muli %add3A_97, %mul3A_98 : i32
      %add3A_100 = arith.addi %mul3A_2, %mul3A_99 : i32
      %min3A_101 = arith.minsi %add3A_100, %add3A_4 : i32
      %dma_start3A_102 = tpu.memref_slice %arg3[%min3A_101] : memref<322560xi32, #tpu.memory_space<hbm>> -> memref<112xi32, #tpu.memory_space<hbm>>
      %dma_start3A_103 = tpu.memref_slice %arg3[%min3A_101] : memref<322560xi32, #tpu.memory_space<hbm>> -> memref<112xi32, #tpu.memory_space<hbm>>
      tpu.enqueue_dma source(%dma_start3A_103 : memref<112xi32, #tpu.memory_space<hbm>>) target(%arg8 : memref<112xi32, #tpu.memory_space<vmem>>) target_semaphore(%arg17 : memref<!tpu.dma_semaphore, #tpu.memory_space<semaphore_mem>>)
      %dma_start3A_104 = tpu.memref_slice %arg4[%min3A_101] : memref<322560xi32, #tpu.memory_space<hbm>> -> memref<112xi32, #tpu.memory_space<hbm>>
      %dma_start3A_105 = tpu.memref_slice %arg4[%min3A_101] : memref<322560xi32, #tpu.memory_space<hbm>> -> memref<112xi32, #tpu.memory_space<hbm>>
      tpu.enqueue_dma source(%dma_start3A_105 : memref<112xi32, #tpu.memory_space<hbm>>) target(%arg11 : memref<112xi32, #tpu.memory_space<vmem>>) target_semaphore(%arg17 : memref<!tpu.dma_semaphore, #tpu.memory_space<semaphore_mem>>)
      %add3A_106 = arith.constant 2 : i32
      %add3A_107 = arith.addi %mul3A_62, %add3A_106 : i32
      %dma_wait3A_108 = arith.constant 0 : i32
      %dma_wait3A_109 = arith.constant 0 : i32
      %dma_wait3A_110 = tpu.memref_slice %arg2[%dma_wait3A_108, %dma_wait3A_109] : memref<10000x128xf32, #tpu.memory_space<hbm>> -> memref<10000x128xf32, #tpu.memory_space<hbm>>
      tpu.wait_indirect_dma semaphore(%arg21 : memref<!tpu.dma_semaphore, #tpu.memory_space<semaphore_mem>>) src(%dma_wait3A_110 : memref<10000x128xf32, #tpu.memory_space<hbm>>) dst(%arg15 : memref<112x128xf32, #tpu.memory_space<vmem>>)
      %dma_wait3A_111 = tpu.memref_slice %arg3[%mul3A_2] : memref<322560xi32, #tpu.memory_space<hbm>> -> memref<112xi32, #tpu.memory_space<hbm>>
      %dma_wait3A_112 = tpu.memref_slice %arg3[%mul3A_2] : memref<322560xi32, #tpu.memory_space<hbm>> -> memref<112xi32, #tpu.memory_space<hbm>>
      tpu.wait_dma2 semaphore(%arg17 : memref<!tpu.dma_semaphore, #tpu.memory_space<semaphore_mem>>) src(%dma_wait3A_112 : memref<112xi32, #tpu.memory_space<hbm>>) dst(%arg8 : memref<112xi32, #tpu.memory_space<vmem>>)
      %dma_wait3A_113 = tpu.memref_slice %arg4[%mul3A_2] : memref<322560xi32, #tpu.memory_space<hbm>> -> memref<112xi32, #tpu.memory_space<hbm>>
      %dma_wait3A_114 = tpu.memref_slice %arg4[%mul3A_2] : memref<322560xi32, #tpu.memory_space<hbm>> -> memref<112xi32, #tpu.memory_space<hbm>>
      tpu.wait_dma2 semaphore(%arg17 : memref<!tpu.dma_semaphore, #tpu.memory_space<semaphore_mem>>) src(%dma_wait3A_114 : memref<112xi32, #tpu.memory_space<hbm>>) dst(%arg11 : memref<112xi32, #tpu.memory_space<vmem>>)
      %dma_start3A_115 = arith.constant 0 : i32
      %dma_start3A_116 = arith.constant 0 : i32
      %dma_start3A_117 = tpu.memref_slice %arg2[%dma_start3A_115, %dma_start3A_116] : memref<10000x128xf32, #tpu.memory_space<hbm>> -> memref<10000x128xf32, #tpu.memory_space<hbm>>
      tpu.enqueue_indirect_dma source(%dma_start3A_117 : memref<10000x128xf32, #tpu.memory_space<hbm>>) target(%arg14 : memref<112x128xf32, #tpu.memory_space<vmem>>) offsets(%arg8 : memref<112xi32, #tpu.memory_space<vmem>>) semaphore(%arg20 : memref<!tpu.dma_semaphore, #tpu.memory_space<semaphore_mem>>)
      "tpu.region"() ({
        %run_scoped3A = tpu.sem_alloc : memref<!tpu.dma_semaphore, #tpu.memory_space<semaphore_mem>>
        %dma_start3A_128 = arith.constant 0 : i32
        %dma_start3A_129 = arith.constant 0 : i32
        %dma_start3A_130 = tpu.memref_slice %arg22[%dma_start3A_128, %dma_start3A_129] : memref<10240x128xf32, #tpu.memory_space<vmem_shared>> -> memref<10240x128xf32, #tpu.memory_space<vmem_shared>>
        tpu.enqueue_indirect_dma source(%arg15 : memref<112x128xf32, #tpu.memory_space<vmem>>) target(%dma_start3A_130 : memref<10240x128xf32, #tpu.memory_space<vmem_shared>>) offsets(%arg12 : memref<112xi32, #tpu.memory_space<vmem>>) semaphore(%run_scoped3A : memref<!tpu.dma_semaphore, #tpu.memory_space<semaphore_mem>>) {add = true}
        %dma_wait3A_131 = arith.constant 0 : i32
        %dma_wait3A_132 = arith.constant 0 : i32
        %dma_wait3A_133 = tpu.memref_slice %arg22[%dma_wait3A_131, %dma_wait3A_132] : memref<10240x128xf32, #tpu.memory_space<vmem_shared>> -> memref<10240x128xf32, #tpu.memory_space<vmem_shared>>
        tpu.wait_indirect_dma semaphore(%run_scoped3A : memref<!tpu.dma_semaphore, #tpu.memory_space<semaphore_mem>>) src(%arg15 : memref<112x128xf32, #tpu.memory_space<vmem>>) dst(%dma_wait3A_133 : memref<10240x128xf32, #tpu.memory_space<vmem_shared>>)
        tpu.yield
      }) : () -> ()
      %add3A_118 = arith.constant 3 : i32
      %add3A_119 = arith.addi %add3A_107, %add3A_118 : i32
      %mul3A_120 = arith.constant 112 : i32
      %mul3A_121 = arith.muli %add3A_119, %mul3A_120 : i32
      %add3A_122 = arith.addi %mul3A_2, %mul3A_121 : i32
      %min3A_123 = arith.minsi %add3A_122, %add3A_4 : i32
      %dma_start3A_124 = tpu.memref_slice %arg3[%min3A_123] : memref<322560xi32, #tpu.memory_space<hbm>> -> memref<112xi32, #tpu.memory_space<hbm>>
      %dma_start3A_125 = tpu.memref_slice %arg3[%min3A_123] : memref<322560xi32, #tpu.memory_space<hbm>> -> memref<112xi32, #tpu.memory_space<hbm>>
      tpu.enqueue_dma source(%dma_start3A_125 : memref<112xi32, #tpu.memory_space<hbm>>) target(%arg9 : memref<112xi32, #tpu.memory_space<vmem>>) target_semaphore(%arg18 : memref<!tpu.dma_semaphore, #tpu.memory_space<semaphore_mem>>)
      %dma_start3A_126 = tpu.memref_slice %arg4[%min3A_123] : memref<322560xi32, #tpu.memory_space<hbm>> -> memref<112xi32, #tpu.memory_space<hbm>>
      %dma_start3A_127 = tpu.memref_slice %arg4[%min3A_123] : memref<322560xi32, #tpu.memory_space<hbm>> -> memref<112xi32, #tpu.memory_space<hbm>>
      tpu.enqueue_dma source(%dma_start3A_127 : memref<112xi32, #tpu.memory_space<hbm>>) target(%arg12 : memref<112xi32, #tpu.memory_space<vmem>>) target_semaphore(%arg18 : memref<!tpu.dma_semaphore, #tpu.memory_space<semaphore_mem>>)
    }
    %scan3A_41 = arith.constant 30 : i32
    %dma_wait3A_42 = arith.constant 0 : i32
    %dma_wait3A_43 = arith.constant 0 : i32
    %dma_wait3A_44 = tpu.memref_slice %arg2[%dma_wait3A_42, %dma_wait3A_43] : memref<10000x128xf32, #tpu.memory_space<hbm>> -> memref<10000x128xf32, #tpu.memory_space<hbm>>
    tpu.wait_indirect_dma semaphore(%arg19 : memref<!tpu.dma_semaphore, #tpu.memory_space<semaphore_mem>>) src(%dma_wait3A_44 : memref<10000x128xf32, #tpu.memory_space<hbm>>) dst(%arg13 : memref<112x128xf32, #tpu.memory_space<vmem>>)
    %dma_wait3A_45 = arith.constant 0 : i32
    %dma_wait3A_46 = arith.constant 0 : i32
    %dma_wait3A_47 = tpu.memref_slice %arg2[%dma_wait3A_45, %dma_wait3A_46] : memref<10000x128xf32, #tpu.memory_space<hbm>> -> memref<10000x128xf32, #tpu.memory_space<hbm>>
    tpu.wait_indirect_dma semaphore(%arg20 : memref<!tpu.dma_semaphore, #tpu.memory_space<semaphore_mem>>) src(%dma_wait3A_47 : memref<10000x128xf32, #tpu.memory_space<hbm>>) dst(%arg14 : memref<112x128xf32, #tpu.memory_space<vmem>>)
    %dma_wait3A_48 = tpu.memref_slice %arg3[%mul3A_2] : memref<322560xi32, #tpu.memory_space<hbm>> -> memref<112xi32, #tpu.memory_space<hbm>>
    %dma_wait3A_49 = tpu.memref_slice %arg3[%mul3A_2] : memref<322560xi32, #tpu.memory_space<hbm>> -> memref<112xi32, #tpu.memory_space<hbm>>
    tpu.wait_dma2 semaphore(%arg18 : memref<!tpu.dma_semaphore, #tpu.memory_space<semaphore_mem>>) src(%dma_wait3A_49 : memref<112xi32, #tpu.memory_space<hbm>>) dst(%arg9 : memref<112xi32, #tpu.memory_space<vmem>>)
    %dma_wait3A_50 = tpu.memref_slice %arg4[%mul3A_2] : memref<322560xi32, #tpu.memory_space<hbm>> -> memref<112xi32, #tpu.memory_space<hbm>>
    %dma_wait3A_51 = tpu.memref_slice %arg4[%mul3A_2] : memref<322560xi32, #tpu.memory_space<hbm>> -> memref<112xi32, #tpu.memory_space<hbm>>
    tpu.wait_dma2 semaphore(%arg18 : memref<!tpu.dma_semaphore, #tpu.memory_space<semaphore_mem>>) src(%dma_wait3A_51 : memref<112xi32, #tpu.memory_space<hbm>>) dst(%arg12 : memref<112xi32, #tpu.memory_space<vmem>>)
    %barrier3A_52 = arith.constant 0 : index
    tpu.barrier barrier_id(%barrier3A_52)
    %mul3A_53 = arith.constant 640 : i32
    %mul3A_54 = arith.muli %arg1, %mul3A_53 : i32
    %mul3A_55 = arith.constant 10240 : i32
    %mul3A_56 = arith.muli %arg0, %mul3A_55 : i32
    %mul3A_57 = arith.constant 640 : i32
    %mul3A_58 = arith.muli %arg1, %mul3A_57 : i32
    %add3A_59 = arith.addi %mul3A_56, %mul3A_58 : i32
    "tpu.region"() ({
      %run_scoped3A = tpu.sem_alloc : memref<!tpu.dma_semaphore, #tpu.memory_space<semaphore_mem>>
      %dma_start3A_60 = arith.constant 0 : i32
      %dma_start3A_61 = tpu.memref_slice %arg6[%add3A_59, %dma_start3A_60] : memref<20480x128xf32, #tpu.memory_space<hbm>> -> memref<640x128xf32, #tpu.memory_space<hbm>>
      %dma_start3A_62 = arith.constant 0 : i32
      %dma_start3A_63 = tpu.memref_slice %arg22[%mul3A_54, %dma_start3A_62] : memref<10240x128xf32, #tpu.memory_space<vmem_shared>> -> memref<640x128xf32, #tpu.memory_space<vmem_shared>>
      tpu.enqueue_dma source(%dma_start3A_63 : memref<640x128xf32, #tpu.memory_space<vmem_shared>>) target(%dma_start3A_61 : memref<640x128xf32, #tpu.memory_space<hbm>>) target_semaphore(%run_scoped3A : memref<!tpu.dma_semaphore, #tpu.memory_space<semaphore_mem>>)
      %dma_wait3A_64 = arith.constant 0 : i32
      %dma_wait3A_65 = tpu.memref_slice %arg6[%add3A_59, %dma_wait3A_64] : memref<20480x128xf32, #tpu.memory_space<hbm>> -> memref<640x128xf32, #tpu.memory_space<hbm>>
      %dma_wait3A_66 = arith.constant 0 : i32
      %dma_wait3A_67 = tpu.memref_slice %arg22[%mul3A_54, %dma_wait3A_66] : memref<10240x128xf32, #tpu.memory_space<vmem_shared>> -> memref<640x128xf32, #tpu.memory_space<vmem_shared>>
      tpu.wait_dma2 semaphore(%run_scoped3A : memref<!tpu.dma_semaphore, #tpu.memory_space<semaphore_mem>>) src(%dma_wait3A_67 : memref<640x128xf32, #tpu.memory_space<vmem_shared>>) dst(%dma_wait3A_65 : memref<640x128xf32, #tpu.memory_space<hbm>>)
      tpu.yield
    }) : () -> ()
    return
  }
}

module attributes {stable_mosaic.version = 14 : i64} {
  func.func @_relu_body(%arg0: i32, %arg1: memref<2000x128xf32, #tpu.memory_space<vmem>>, %arg2: memref<2000x128xf32, #tpu.memory_space<vmem>>) attributes {dimension_semantics = [#tpu.dimension_semantics<arbitrary>], iteration_bounds = array<i64: 5>, scalar_prefetch = 0 : i64, scratch_operands = 0 : i64, tpu.core_type = #tpu.core_type<tc>, window_params = [{transform_indices = @transform_0, window_bounds = array<i64: 2000, 128>}, {transform_indices = @transform_1, window_bounds = array<i64: 2000, 128>}]} {
    %get3A = arith.constant 0 : index
    %get3A_0 = arith.constant 0 : index
    %get3A_1 = vector.load %arg1[%get3A, %get3A_0] : memref<2000x128xf32, #tpu.memory_space<vmem>>, vector<2000x128xf32>
    %max3A = arith.constant 0.000000e+00 : f32
    %max3A_2 = vector.broadcast %max3A : f32 to vector<2000x128xf32>
    %max3A_3 = arith.maximumf %get3A_1, %max3A_2 : vector<2000x128xf32>
    %swap3A = arith.constant 0 : index
    %swap3A_4 = arith.constant 0 : index
    %swap3A_5 = vector.load %arg2[%swap3A, %swap3A_4] : memref<2000x128xf32, #tpu.memory_space<vmem>>, vector<2000x128xf32>
    tpu.vector_store %arg2[%swap3A, %swap3A_4], %max3A_3 {strides = array<i32>} : memref<2000x128xf32, #tpu.memory_space<vmem>>, vector<2000x128xf32>,
    return
  }
  func.func @transform_0(%arg0: i32) -> (i32, i32) {
    %c0_i32 = arith.constant 0 : i32
    %c0_i32_0 = arith.constant 0 : i32
    return %arg0, %c0_i32 : i32, i32
  }
  func.func @transform_1(%arg0: i32) -> (i32, i32) {
    %c0_i32 = arith.constant 0 : i32
    %c0_i32_0 = arith.constant 0 : i32
    return %arg0, %c0_i32 : i32, i32
  }
}

module attributes {stable_mosaic.version = 14 : i64} {
  func.func @_pad_body(%arg0: memref<2x2500x128xi32, #tpu.memory_space<vmem>>, %arg1: memref<2520x128xi32, #tpu.memory_space<vmem>>, %arg2: memref<2520x128xi32, #tpu.memory_space<vmem>>) attributes {dimension_semantics = [], scalar_prefetch = 0 : i64, scratch_operands = 0 : i64, tpu.core_type = #tpu.core_type<tc>} {
    %get3A = arith.constant 0 : index
    %get3A_0 = arith.constant 0 : index
    %get3A_1 = arith.constant 0 : index
    %get3A_2 = vector.load %arg0[%get3A, %get3A_0, %get3A_1] : memref<2x2500x128xi32, #tpu.memory_space<vmem>>, vector<1x2500x128xi32>
    %get3A_3 = vector.shape_cast %get3A_2 : vector<1x2500x128xi32> to vector<2500x128xi32>
    %swap3A = arith.constant 0 : index
    %swap3A_4 = arith.constant 0 : index
    %swap3A_5 = vector.load %arg1[%swap3A, %swap3A_4] : memref<2520x128xi32, #tpu.memory_space<vmem>>, vector<2500x128xi32>
    tpu.vector_store %arg1[%swap3A, %swap3A_4], %get3A_3 {strides = array<i32>} : memref<2520x128xi32, #tpu.memory_space<vmem>>, vector<2500x128xi32>,
    %get3A_6 = arith.constant 1 : index
    %get3A_7 = arith.constant 0 : index
    %get3A_8 = arith.constant 0 : index
    %get3A_9 = vector.load %arg0[%get3A_6, %get3A_7, %get3A_8] : memref<2x2500x128xi32, #tpu.memory_space<vmem>>, vector<1x2500x128xi32>
    %get3A_10 = vector.shape_cast %get3A_9 : vector<1x2500x128xi32> to vector<2500x128xi32>
    %swap3A_11 = arith.constant 0 : index
    %swap3A_12 = arith.constant 0 : index
    %swap3A_13 = vector.load %arg2[%swap3A_11, %swap3A_12] : memref<2520x128xi32, #tpu.memory_space<vmem>>, vector<2500x128xi32>
    tpu.vector_store %arg2[%swap3A_11, %swap3A_12], %get3A_10 {strides = array<i32>} : memref<2520x128xi32, #tpu.memory_space<vmem>>, vector<2500x128xi32>,
    %iota3A = tpu.iota {dimensions = array<i32: 0>} : vector<20x128xi32>
    %mul3A = arith.constant 128 : i32
    %mul3A_14 = vector.broadcast %mul3A : i32 to vector<20x128xi32>
    %mul3A_15 = arith.muli %iota3A, %mul3A_14 : vector<20x128xi32>
    %iota3A_16 = tpu.iota {dimensions = array<i32: 1>} : vector<20x128xi32>
    %add3A = arith.addi %mul3A_15, %iota3A_16 : vector<20x128xi32>
    %jit3A = arith.constant 10000 : i32
    %eq3A = arith.constant 0 : i32
    %eq3A_17 = arith.cmpi eq, %jit3A, %eq3A : i32
    %jit3A_18 = arith.constant 1 : i32
    %select_n3A = arith.select %eq3A_17, %jit3A_18, %jit3A : i32
    %rem3A = vector.broadcast %select_n3A : i32 to vector<20x128xi32>
    %rem3A_19 = arith.remsi %add3A, %rem3A : vector<20x128xi32>
    %ne3A = arith.constant 0 : i32
    %ne3A_20 = vector.broadcast %ne3A : i32 to vector<20x128xi32>
    %ne3A_21 = arith.cmpi ne, %rem3A_19, %ne3A_20 : vector<20x128xi32>
    %lt3A = arith.constant 0 : i32
    %lt3A_22 = vector.broadcast %lt3A : i32 to vector<20x128xi32>
    %lt3A_23 = arith.cmpi slt, %rem3A_19, %lt3A_22 : vector<20x128xi32>
    %lt3A_24 = arith.constant 0 : i32
    %lt3A_25 = arith.cmpi slt, %select_n3A, %lt3A_24 : i32
    %ne3A_26 = vector.broadcast %lt3A_25 : i1 to vector<20x128xi1>
    %ne3A_27 = vector.broadcast %ne3A_26 : vector<20x128xi1> to vector<20x128xi1>
    %ne3A_28 = arith.xori %lt3A_23, %ne3A_27 : vector<20x128xi1>
    %and3A = arith.andi %ne3A_28, %ne3A_21 : vector<20x128xi1>
    %add3A_29 = vector.broadcast %select_n3A : i32 to vector<20x128xi32>
    %add3A_30 = arith.addi %rem3A_19, %add3A_29 : vector<20x128xi32>
    %select_n3A_31 = arith.select %and3A, %add3A_30, %rem3A_19 : vector<20x128xi1>, vector<20x128xi32>
    %swap3A_32 = arith.constant 2500 : index
    %swap3A_33 = arith.constant 0 : index
    %swap3A_34 = vector.load %arg1[%swap3A_32, %swap3A_33] : memref<2520x128xi32, #tpu.memory_space<vmem>>, vector<20x128xi32>
    tpu.vector_store %arg1[%swap3A_32, %swap3A_33], %select_n3A_31 {strides = array<i32>} : memref<2520x128xi32, #tpu.memory_space<vmem>>, vector<20x128xi32>,
    %jit3A_35 = arith.constant 240 : i32
    %eq3A_36 = arith.constant 0 : i32
    %eq3A_37 = arith.cmpi eq, %jit3A_35, %eq3A_36 : i32
    %jit3A_38 = arith.constant 1 : i32
    %select_n3A_39 = arith.select %eq3A_37, %jit3A_38, %jit3A_35 : i32
    %rem3A_40 = vector.broadcast %select_n3A_39 : i32 to vector<20x128xi32>
    %rem3A_41 = arith.remsi %add3A, %rem3A_40 : vector<20x128xi32>
    %ne3A_42 = arith.constant 0 : i32
    %ne3A_43 = vector.broadcast %ne3A_42 : i32 to vector<20x128xi32>
    %ne3A_44 = arith.cmpi ne, %rem3A_41, %ne3A_43 : vector<20x128xi32>
    %lt3A_45 = arith.constant 0 : i32
    %lt3A_46 = vector.broadcast %lt3A_45 : i32 to vector<20x128xi32>
    %lt3A_47 = arith.cmpi slt, %rem3A_41, %lt3A_46 : vector<20x128xi32>
    %lt3A_48 = arith.constant 0 : i32
    %lt3A_49 = arith.cmpi slt, %select_n3A_39, %lt3A_48 : i32
    %ne3A_50 = vector.broadcast %lt3A_49 : i1 to vector<20x128xi1>
    %ne3A_51 = vector.broadcast %ne3A_50 : vector<20x128xi1> to vector<20x128xi1>
    %ne3A_52 = arith.xori %lt3A_47, %ne3A_51 : vector<20x128xi1>
    %and3A_53 = arith.andi %ne3A_52, %ne3A_44 : vector<20x128xi1>
    %add3A_54 = vector.broadcast %select_n3A_39 : i32 to vector<20x128xi32>
    %add3A_55 = arith.addi %rem3A_41, %add3A_54 : vector<20x128xi32>
    %select_n3A_56 = arith.select %and3A_53, %add3A_55, %rem3A_41 : vector<20x128xi1>, vector<20x128xi32>
    %add3A_57 = arith.constant 10000 : i32
    %add3A_58 = vector.broadcast %add3A_57 : i32 to vector<20x128xi32>
    %add3A_59 = arith.addi %add3A_58, %select_n3A_56 : vector<20x128xi32>
    %swap3A_60 = arith.constant 2500 : index
    %swap3A_61 = arith.constant 0 : index
    %swap3A_62 = vector.load %arg2[%swap3A_60, %swap3A_61] : memref<2520x128xi32, #tpu.memory_space<vmem>>, vector<20x128xi32>
    tpu.vector_store %arg2[%swap3A_60, %swap3A_61], %add3A_59 {strides = array<i32>} : memref<2520x128xi32, #tpu.memory_space<vmem>>, vector<20x128xi32>,
    return
  }
}

module attributes {stable_mosaic.version = 14 : i64} {
  func.func @_mlp_body(%arg0: i32, %arg1: memref<2000x128xf32, #tpu.memory_space<vmem>>, %arg2: memref<1x2000x128xf32, #tpu.memory_space<vmem>>, %arg3: memref<1x2000x128xf32, #tpu.memory_space<vmem>>, %arg4: memref<128x128xf32, #tpu.memory_space<vmem>>, %arg5: memref<1x128xf32, #tpu.memory_space<vmem>>, %arg6: memref<128x128xf32, #tpu.memory_space<vmem>>, %arg7: memref<1x128xf32, #tpu.memory_space<vmem>>, %arg8: memref<1x1xf32, #tpu.memory_space<smem>>, %arg9: memref<2000x128xf32, #tpu.memory_space<vmem>>) attributes {dimension_semantics = [#tpu.dimension_semantics<arbitrary>], iteration_bounds = array<i64: 5>, scalar_prefetch = 0 : i64, scratch_operands = 0 : i64, tpu.core_type = #tpu.core_type<tc>, window_params = [{transform_indices = @transform_0, window_bounds = array<i64: 2000, 128>}, {transform_indices = @transform_1, window_bounds = array<i64: 1, 2000, 128>}, {transform_indices = @transform_2, window_bounds = array<i64: 1, 2000, 128>}, {pipeline_mode = #tpu.pipeline_mode<synchronous>, transform_indices = @transform_3, window_bounds = array<i64: 128, 128>}, {pipeline_mode = #tpu.pipeline_mode<synchronous>, transform_indices = @transform_4, window_bounds = array<i64: 1, 128>}, {pipeline_mode = #tpu.pipeline_mode<synchronous>, transform_indices = @transform_5, window_bounds = array<i64: 128, 128>}, {pipeline_mode = #tpu.pipeline_mode<synchronous>, transform_indices = @transform_6, window_bounds = array<i64: 1, 128>}, {transform_indices = @transform_7, window_bounds = array<i64: 1, 1>}, {transform_indices = @transform_8, window_bounds = array<i64: 2000, 128>}]} {
    %get3A = arith.constant 0 : index
    %get3A_0 = arith.constant 0 : index
    %get3A_1 = vector.load %arg1[%get3A, %get3A_0] : memref<2000x128xf32, #tpu.memory_space<vmem>>, vector<2000x128xf32>
    %get3A_2 = arith.constant 0 : index
    %get3A_3 = arith.constant 0 : index
    %get3A_4 = memref.load %arg8[%get3A_2, %get3A_3] : memref<1x1xf32, #tpu.memory_space<smem>>
    %add3A = arith.constant 1.000000e+00 : f32
    %add3A_5 = arith.addf %add3A, %get3A_4 : f32
    %mul3A = vector.broadcast %add3A_5 : f32 to vector<2000x128xf32>
    %mul3A_6 = arith.mulf %get3A_1, %mul3A : vector<2000x128xf32>
    %get3A_7 = arith.constant 0 : index
    %get3A_8 = arith.constant 0 : index
    %get3A_9 = arith.constant 0 : index
    %get3A_10 = vector.load %arg2[%get3A_7, %get3A_8, %get3A_9] : memref<1x2000x128xf32, #tpu.memory_space<vmem>>, vector<1x2000x128xf32>
    %get3A_11 = vector.shape_cast %get3A_10 : vector<1x2000x128xf32> to vector<2000x128xf32>
    %add3A_12 = arith.addf %mul3A_6, %get3A_11 : vector<2000x128xf32>
    %get3A_13 = arith.constant 0 : index
    %get3A_14 = arith.constant 0 : index
    %get3A_15 = arith.constant 0 : index
    %get3A_16 = vector.load %arg3[%get3A_13, %get3A_14, %get3A_15] : memref<1x2000x128xf32, #tpu.memory_space<vmem>>, vector<1x2000x128xf32>
    %get3A_17 = vector.shape_cast %get3A_16 : vector<1x2000x128xf32> to vector<2000x128xf32>
    %add3A_18 = arith.addf %add3A_12, %get3A_17 : vector<2000x128xf32>
    %get3A_19 = arith.constant 0 : index
    %get3A_20 = arith.constant 0 : index
    %get3A_21 = vector.load %arg4[%get3A_19, %get3A_20] : memref<128x128xf32, #tpu.memory_space<vmem>>, vector<128x128xf32>
    %dot_general3A = arith.constant dense<0.000000e+00> : vector<2000x128xf32>
    %dot_general3A_22 = tpu.matmul %add3A_18, %get3A_21, %dot_general3A {dimension_numbers = #tpu.dot_dimension_numbers<[1], [0], [0], [1], [0, 0, 1, 1], [], []>, transpose_lhs_hint = false} : vector<2000x128xf32>, vector<128x128xf32>, vector<2000x128xf32> -> vector<2000x128xf32>
    %get3A_23 = arith.constant 0 : index
    %get3A_24 = arith.constant 0 : index
    %get3A_25 = vector.load %arg5[%get3A_23, %get3A_24] : memref<1x128xf32, #tpu.memory_space<vmem>>, vector<1x128xf32>
    %add3A_26 = vector.broadcast %get3A_25 : vector<1x128xf32> to vector<2000x128xf32>
    %add3A_27 = arith.addf %dot_general3A_22, %add3A_26 : vector<2000x128xf32>
    %max3A = arith.constant 0.000000e+00 : f32
    %max3A_28 = vector.broadcast %max3A : f32 to vector<2000x128xf32>
    %max3A_29 = arith.maximumf %add3A_27, %max3A_28 : vector<2000x128xf32>
    %get3A_30 = arith.constant 0 : index
    %get3A_31 = arith.constant 0 : index
    %get3A_32 = vector.load %arg6[%get3A_30, %get3A_31] : memref<128x128xf32, #tpu.memory_space<vmem>>, vector<128x128xf32>
    %dot_general3A_33 = arith.constant dense<0.000000e+00> : vector<2000x128xf32>
    %dot_general3A_34 = tpu.matmul %max3A_29, %get3A_32, %dot_general3A_33 {dimension_numbers = #tpu.dot_dimension_numbers<[1], [0], [0], [1], [0, 0, 1, 1], [], []>, transpose_lhs_hint = false} : vector<2000x128xf32>, vector<128x128xf32>, vector<2000x128xf32> -> vector<2000x128xf32>
    %get3A_35 = arith.constant 0 : index
    %get3A_36 = arith.constant 0 : index
    %get3A_37 = vector.load %arg7[%get3A_35, %get3A_36] : memref<1x128xf32, #tpu.memory_space<vmem>>, vector<1x128xf32>
    %add3A_38 = vector.broadcast %get3A_37 : vector<1x128xf32> to vector<2000x128xf32>
    %add3A_39 = arith.addf %dot_general3A_34, %add3A_38 : vector<2000x128xf32>
    %swap3A = arith.constant 0 : index
    %swap3A_40 = arith.constant 0 : index
    %swap3A_41 = vector.load %arg9[%swap3A, %swap3A_40] : memref<2000x128xf32, #tpu.memory_space<vmem>>, vector<2000x128xf32>
    tpu.vector_store %arg9[%swap3A, %swap3A_40], %add3A_39 {strides = array<i32>} : memref<2000x128xf32, #tpu.memory_space<vmem>>, vector<2000x128xf32>,
    return
  }
  func.func @transform_0(%arg0: i32) -> (i32, i32) {
    %c0_i32 = arith.constant 0 : i32
    %c0_i32_0 = arith.constant 0 : i32
    return %arg0, %c0_i32 : i32, i32
  }
  func.func @transform_1(%arg0: i32) -> (i32, i32, i32) {
    %c0_i32 = arith.constant 0 : i32
    %c0_i32_0 = arith.constant 0 : i32
    %c0_i32_1 = arith.constant 0 : i32
    return %c0_i32, %arg0, %c0_i32_0 : i32, i32, i32
  }
  func.func @transform_2(%arg0: i32) -> (i32, i32, i32) {
    %c1_i32 = arith.constant 1 : i32
    %c0_i32 = arith.constant 0 : i32
    %c0_i32_0 = arith.constant 0 : i32
    return %c1_i32, %arg0, %c0_i32 : i32, i32, i32
  }
  func.func @transform_3(%arg0: i32) -> (i32, i32) {
    %c0_i32 = arith.constant 0 : i32
    %c0_i32_0 = arith.constant 0 : i32
    %c0_i32_1 = arith.constant 0 : i32
    return %c0_i32, %c0_i32_0 : i32, i32
  }
  func.func @transform_4(%arg0: i32) -> (i32, i32) {
    %c0_i32 = arith.constant 0 : i32
    %c0_i32_0 = arith.constant 0 : i32
    %c0_i32_1 = arith.constant 0 : i32
    return %c0_i32, %c0_i32_0 : i32, i32
  }
  func.func @transform_5(%arg0: i32) -> (i32, i32) {
    %c0_i32 = arith.constant 0 : i32
    %c0_i32_0 = arith.constant 0 : i32
    %c0_i32_1 = arith.constant 0 : i32
    return %c0_i32, %c0_i32_0 : i32, i32
  }
  func.func @transform_6(%arg0: i32) -> (i32, i32) {
    %c0_i32 = arith.constant 0 : i32
    %c0_i32_0 = arith.constant 0 : i32
    %c0_i32_1 = arith.constant 0 : i32
    return %c0_i32, %c0_i32_0 : i32, i32
  }
  func.func @transform_7(%arg0: i32) -> (i32, i32) {
    %c0_i32 = arith.constant 0 : i32
    %c0_i32_0 = arith.constant 0 : i32
    %c0_i32_1 = arith.constant 0 : i32
    return %c0_i32, %c0_i32_0 : i32, i32
  }
  func.func @transform_8(%arg0: i32) -> (i32, i32) {
    %c0_i32 = arith.constant 0 : i32
    %c0_i32_0 = arith.constant 0 : i32
    return %arg0, %c0_i32 : i32, i32
  }
}

</mosaic_0001>

<sc_bundles>
// kernel: kernel.6.cloned.1.call-start
scs
__scs_entry_jumppad:
0x0: {  	(pc) =	sbr.rel $0x88, $3  }
0x1: {  	(tag) =	ssettag $0x0;
	lr =	simm.s32 $0x1  }
0x2: {  	[smem:$0x3F9A] =	sst lr;
	_ =	strace $0xD0000000  }
0x3: {  	_ = 	snop  }
0x4: {  	_ = 	snop  }
0x5: {  	_ = 	snop  }
0x6: {  	_ = 	snop  }
0x7: {  	_ = 	snop  }
__scs_overlays_trampoline_lowered:
0x8: {  	[smem:$0x3FA9] =	sst s0  }
0x9: {  	[smem:$0x3FAA] =	sst s1  }
0xa: {  	[smem:$0x3FAB] =	sst s2  }
0xb: {  	[smem:$0x3FAC] =	sst s3  }
0xc: {  	[smem:$0x3FAD] =	sst s4  }
0xd: {  	[smem:$0x3FAE] =	sst s5  }
0xe: {  	[smem:$0x3FAF] =	sst s6  }
0xf: {  	[smem:$0x3FB0] =	sst s7  }
0x10: {  	[smem:$0x3FB1] =	sst s8  }
0x11: {  	[smem:$0x3FB2] =	sst s9;
	s0 =	simm.s32 @!p0 $0x0  }
0x12: {  	s1 =	sld [smem:$0x3F98];
	s0 =	simm.s32 @p0 $0x1  }
0x13: {  	[smem:$0x3FB3] =	sst s0;
	s0 =	simm.s32 @!p1 $0x0  }
0x14: {  	s2 =	sld [smem:$0x3F97];
	s0 =	simm.s32 @p1 $0x1  }
0x15: {  	[smem:$0x3FB4] =	sst s0;
	s0 =	simm.s32 @!p2 $0x0  }
0x16: {  	s3 =	sld [smem:$0x3FDB];
	s0 =	simm.s32 @p2 $0x1  }
0x17: {  	s4 =	simm.s32 $0x1BF5;
	[smem:$0x3FB6] =	sst s0  }
0x18: {  	s0 =	sld [smem:$0x3F99];
	_ =	swait.ge [sflag:s4], $0x0  }
0x19: {  	s7 =	sld [smem:$0x3F9A]  }
0x1a: {  	s8 =	sadd.s32 $0xFFFFE003, lr  }
0x1b: {  	s9 =	sadd.s32 $0xFFFFFEF7, lr;
	s5 =	simm.s32 $0xFFFFFFFF;
	p2 =	slt.u32 s8, $0xFFFFF086  }
0x1c: {  	p1 =	slt.u32 s9, $0xF7A;
	s5 =	simm.s32 @!p2 $0x0  }
0x1d: {  	s5 =	simm.s32 @p1 $0x1;
	p0 =	seq.s32 s7, s2  }
0x1e: {  	s7 =	smul.u32 @!p0 $0xF7A, s2;
	p2 =	seq.s32 @!p0 s5, $0x0  }
0x1f: {  	s9 =	smul.u32 $0xF7A, s1;
	s8 =	simm.s32 @!p0 $0x1BF5;
	p2 =	por !p2, p0  }
0x20: {  	[sflag:s8] =	ssyncset.s32 @!p0 $0xFFFFF086;
	s6 =	sadd.s32 @!p0 s3, s7;
	s7 =	simm.s32 @!p0 $0x108  }
0x21: {  	s3 =	sadd.s32 s3, s9;
	s6 =	sadd.s32 @!p0 $0x88, s6;
	s7 =	simm.s32 @p2 $0x1082  }
0x22: {  	[simem:s7], [sflag:s8] =	dma.local @!p0 [hbm:s6], $0xF7A  }
0x23: {  	s9 =	sor.u32 $0xD0000000, s2;
	s6 =	simm.s32 $0x108;
	_ =	swait.ge @!p0 [sflag:s8], $0x0  }
0x24: {  	s3 =	sadd.s32 $0x88, s3;
	s6 =	simm.s32 @!p1 $0x1082;
	[sflag:s4] =	ssyncset.s32 $0xFFFFF086  }
0x25: {  	[simem:s6], [sflag:s4] =	dma.local [hbm:s3], $0xF7A  }
0x26: {  	[smem:$0x3F9A] =	sst s1;
	(tag) =	ssettag s2;
	_ =	strace s9  }
0x27: {  	s1 =	sld [smem:$0x3FAA]  }
0x28: {  	s2 =	sld [smem:$0x3FAB]  }
0x29: {  	s4 =	sld [smem:$0x3FAD]  }
0x2a: {  	p0 =	seq.s32 s5, $0x0;
	s5 =	sld [smem:$0x3FAE]  }
0x2b: {  	s6 =	sld [smem:$0x3FAF]  }
0x2c: {  	s7 =	sld [smem:$0x3FB0]  }
0x2d: {  	s3 =	simm.s32 $0x108;
	s8 =	sld [smem:$0x3FB1]  }
0x2e: {  	s3 =	simm.s32 @!p0 $0x1082;
	s9 =	sld [smem:$0x3FB2]  }
0x2f: {  	lr =	sadd.s32 s0, s3;
	s0 =	sld [smem:$0x3FA9]  }
0x30: {  	s3 =	sld [smem:$0x3FAC]  }
0x31: {  	[smem:$0x3FB5] =	sst s10  }
0x32: {  	s10 =	sld [smem:$0x3FB3];
	_ =	sdelay $0x3  }
0x33: {  	p0 =	seq.s32 s10, $0x1;
	s10 =	sld [smem:$0x3FB5];
	_ =	sdelay $0x3  }
0x34: {  	[smem:$0x3FB5] =	sst s10  }
0x35: {  	s10 =	sld [smem:$0x3FB4];
	_ =	sdelay $0x3  }
0x36: {  	p1 =	seq.s32 s10, $0x1;
	s10 =	sld [smem:$0x3FB5];
	_ =	sdelay $0x3  }
0x37: {  	[smem:$0x3FB5] =	sst s10  }
0x38: {  	s10 =	sld [smem:$0x3FB6]  }
0x39: {  	_ = 	snop;
	(pc) =	sbr.ind lr, $3  }
0x3a: {  	_ = 	snop  }
0x3b: {  	_ = 	snop  }
0x3c: {  	p2 =	seq.s32 s10, $0x1;
	s10 =	sld [smem:$0x3FB5]  }
0x3d: {  	_ =	shalt  }
0x3e: {  	_ =	shalt  }
0x3f: {  	_ =	shalt  }
0x40: {  	_ =	shalt  }
0x41: {  	_ =	shalt  }
0x42: {  	_ =	shalt  }
0x43: {  	_ =	shalt  }
0x44: {  	_ =	shalt  }
0x45: {  	_ =	shalt  }
0x46: {  	_ =	shalt  }
0x47: {  	_ =	shalt  }
0x48: {  	_ =	shalt  }
0x49: {  	_ =	shalt  }
0x4a: {  	_ =	shalt  }
0x4b: {  	_ =	shalt  }
0x4c: {  	_ =	shalt  }
0x4d: {  	_ =	shalt  }
0x4e: {  	_ =	shalt  }
0x4f: {  	_ =	shalt  }
0x50: {  	_ =	shalt  }
0x51: {  	_ =	shalt  }
0x52: {  	_ =	shalt  }
0x53: {  	_ =	shalt  }
0x54: {  	_ =	shalt  }
0x55: {  	_ =	shalt  }
0x56: {  	_ =	shalt  }
0x57: {  	_ =	shalt  }
0x58: {  	_ =	shalt  }
0x59: {  	_ =	shalt  }
0x5a: {  	_ =	shalt  }
0x5b: {  	_ =	shalt  }
0x5c: {  	_ =	shalt  }
0x5d: {  	_ =	shalt  }
0x5e: {  	_ =	shalt  }
0x5f: {  	_ =	shalt  }
0x60: {  	_ =	shalt  }
0x61: {  	_ =	shalt  }
0x62: {  	_ =	shalt  }
0x63: {  	_ =	shalt  }
0x64: {  	_ =	shalt  }
0x65: {  	_ =	shalt  }
0x66: {  	_ =	shalt  }
0x67: {  	_ =	shalt  }
0x68: {  	_ =	shalt  }
0x69: {  	_ =	shalt  }
0x6a: {  	_ =	shalt  }
0x6b: {  	_ =	shalt  }
0x6c: {  	_ =	shalt  }
0x6d: {  	_ =	shalt  }
0x6e: {  	_ =	shalt  }
0x6f: {  	_ =	shalt  }
0x70: {  	_ =	shalt  }
0x71: {  	_ =	shalt  }
0x72: {  	_ =	shalt  }
0x73: {  	_ =	shalt  }
0x74: {  	_ =	shalt  }
0x75: {  	_ =	shalt  }
0x76: {  	_ =	shalt  }
0x77: {  	_ =	shalt  }
0x78: {  	_ =	shalt  }
0x79: {  	_ =	shalt  }
0x7a: {  	_ =	shalt  }
0x7b: {  	_ =	shalt  }
0x7c: {  	_ =	shalt  }
0x7d: {  	_ =	shalt  }
0x7e: {  	_ =	shalt  }
0x7f: {  	_ =	shalt  }
0x80: {  	_ =	shalt  }
0x81: {  	_ =	shalt  }
0x82: {  	_ =	shalt  }
0x83: {  	_ =	shalt  }
0x84: {  	_ =	shalt  }
0x85: {  	_ =	shalt  }
0x86: {  	_ =	shalt  }
0x87: {  	_ =	shalt  }
.Lfunc_end0:
.L_simem_size_0:
called_computation_lowered:
.L_overlay_start_0:
0x88: {  	s2 =	sld [smem:$0x3FD9]  }
0x89: {  	s3 =	sld [smem:$0x3FFE];
	_ =	sdelay $0x1  }
0x8a: {  	s1 =	srdreg.scid  }
0x8b: {  	s0 =	sand.u32 $0x1, s1  }
0x8c: {  	s17 =	sshll.u32 s0, $0xA;
	s2 =	sadd.s32 s3, s2  }
0x8d: {  	s2 =	sadd.s32 s2, s17  }
0x8e: {  	[smem:$0x3FC1] =	sst s2  }
0x8f: {  	_ = 	snop  }
0x90: {  	s2 =	sld [smem:$0x3FD0];
	(tm) =	ssettm $0x1  }
0x91: {  	s18 =	sld [smem:$0x3FFB];
	_ =	sdelay $0x3  }
0x92: {  	_ =	strace s18  }
0x93: {  	s3 =	sld [smem:$0x3FFC];
	_ =	sdelay $0x3  }
0x94: {  	_ =	strace s3  }
0x95: {  	s3 =	sld [smem:$0x3FFD];
	_ =	sdelay $0x3  }
0x96: {  	_ =	strace s3  }
0x97: {  	_ =	strace $0x8FFFFFFF  }
0x98: {  	s19 =	sld [smem:$0x3FDB];
	_ =	sdelay $0x1  }
0x99: {  	s4 =	simm.s32 $_scs_section_size  }
0x9a: {  	s5 =	simm.s32 $_size__tile_overlayer_lowered;
	s6 =	simm.s32 $_tile_overlayer_lowered  }
0x9b: {  	s22 =	simm.s32 $0x1BFF;
	s21 =	sshll.u32 s6, $0x1;
	s3 =	sadd.s32 s4, s19  }
0x9c: {  	s7 =	simm.s32 $0x0;
	s20 =	sshll.u32 s5, $0x1;
	s5 =	sadd.s32 s21, s3  }
0x9d: {  	[timem:s7], [sflag:s22] =	dma.local [hbm:s5], s20  }
0x9e: {  	_ =	swait.ge [sflag:s22], s20  }
0x9f: {  	s4 =	ssub.s32 $0x0, s20;
	[sflag:s22] =	ssyncset.done $0x0  }
0xa0: {  	[sflag:s22] =	ssyncadd.s32 s4;
	_ =	sdelay $0x1  }
0xa1: {  	s23 =	simm.s32 $0x1B8B  }
0xa2: {  	_ =	swait.ge [sflag:s23], $0x1  }
0xa3: {  	[sflag:s23] =	ssyncset.done $0x0  }
0xa4: {  	s25 =	simm.s32 $0x1B8E;
	s24 =	sld [smem:$0x3FFE];
	[sflag:s23] =	ssyncadd.s32 $0xFFFFFFFF  }
0xa5: {  	s26 =	simm.s32 $execute0_lowered;
	[smem:$0x3FD2] =	sst s25  }
0xa6: {  	s5 =	sshll.u32 s26, $0x1;
	_ =	strace $0x80000046;
	[dreg:$0x1] =	wrdreg $0xFFFFFFFF  }
0xa7: {  	s28 =	simm.s32 $_size_execute0_lowered;
	s3 =	sadd.s32 s3, s5;
	[dreg:$0x0] =	wrdreg $0x0  }
0xa8: {  	s5 =	sshll.u32 s28, $0x1;
	[dreg:$0x2] =	wrdreg s3  }
0xa9: {  	[dreg:$0x3] =	wrdreg s5  }
0xaa: {  	[dreg:$0x4] =	wrdreg $0xC0  }
0xab: {  	_ =	task [dreg:s7], $0x5FFFF  }
0xac: {  	[dreg:$0x1] =	wrdreg $0xFFFFFFFF  }
0xad: {  	[dreg:$0x0] =	wrdreg $0x60  }
0xae: {  	[dreg:$0x2] =	wrdreg s2  }
0xaf: {  	[dreg:$0x3] =	wrdreg s24  }
0xb0: {  	[dreg:$0x4] =	wrdreg $0xAB000  }
0xb1: {  	[dreg:$0x5] =	wrdreg $0x9  }
0xb2: {  	_ =	task.clear_ibuf [dreg:s7], $0x6FFFF;
	_ =	strace $0x90000046  }
0xb3: {  	s29 =	simm.s32 $0x9;
	_ =	strace $0x80000048  }
0xb4: {  	_ =	swait.ge [sflag:s29], $0x1  }
0xb5: {  	[sflag:s29] =	ssyncadd.s32 $0xFFFFFFFF  }
0xb6: {  	_ =	strace $0x90000048  }
0xb7: {  	_ =	sfence  }
0xb8: {  	s30 =	sld [smem:$0x0];
	_ =	sdelay $0x2  }
0xb9: {  	s31 =	sshll.u32 s1, $0xD;
	s1 =	sshrl.u32 s1, $0x2  }
0xba: {  	s3 =	sand.u32 $0x4000, s31;
	s1 =	sadd.s32 s1, s30  }
0xbb: {  	s0 =	sor.u32 s3, s0;
	s1 =	sshll.u32 s1, $0x11  }
0xbc: {  	s0 =	sor.u32 s1, s0  }
0xbd: {  	s0 =	sadd.s32 $0x8F2B, s0  }
0xbe: {  	[sflag:s0] =	ssyncadd.remote.s32 $0x1  }
0xbf: {  	_ =	sfence.sel $0xFFFF  }
0xc0: {  	[dreg:$0x0] =	wrdreg $0xFFFFFFFF;
	(pc) =	sbr.abs _section_cstart, $3  }
0xc1: {  	[dreg:$0x1] =	wrdreg $0xFFFFFFFF  }
0xc2: {  	_ =	task.clear_ibuf [dreg:s7], $0x2FFFF;
	_ =	strace $0x9FFFFFFF  }
0xc3: {  	(tm) =	ssettm $0x7FFFFFFF  }
tec
execute0_lowered:
.L_overlay_start_1:
0x0: {  	(tag) =	ssettag $0x1  }
0x1: {  	s1 =	rddreg [dreg:$0x0]  }
0x2: {  	s0 =	rddreg [dreg:$0x1]  }
0x3: {  	s2 =	rddreg [dreg:$0x2];
	s4 =	simm.s32 $0x0;
	s3 =	srdreg.scid  }
0x4: {  	s12 =	stileid.u32;
	s28 =	simm.s32 $0x3B00;
	s29 =	simm.s32 $0x7  }
0x5: {  	s30 =	simm.s32 $0x4;
	s31 =	simm.s32 $0x3;
	[smem:$0x7FF] =	sst s4  }
0x6: {  	s3 =	sand.u32 $0x1, s3;
	s7 =	smul.u32 $0x2800, s12;
	s5 =	sshll.u32 s12, $0x1  }
0x7: {  	s6 =	sadd.s32 $0xB600, s0;
	s10 =	sadd.s32 $0x15400, s0;
	s21 =	smul.u32 $0x4EC0, s12  }
0x8: {  	_ =	strace $0x80000047;
	s8 =	smul.u32 $0x28000, s3;
	s9 =	sor.u32 s3, s5  }
0x9: {  	s5 =	sadd.s32 $0x1800, s0;
	s11 =	ssub.s32 $0x2, s3;
	s3 =	smul.u32 $0x2760, s3  }
0xa: {  	[dreg:$0x5] =	wrdreg s10;
	s9 =	smul.u32 $0x2760, s9;
	s13 =	sshrl.u32 s11, $0x1  }
0xb: {  	s7 =	sadd.s32 s7, s8;
	s26 =	sadd.s32 s3, s21;
	s21 =	simm.s32 $0x100  }
0xc: {  	s3 =	simm.s32 $0x5;
	s0 =	sadd.s32 s7, s0;
	s14 =	sshrl.u32 s9, $0x3  }
0xd: {  	s7 =	ssub.s32 s11, s13;
	s17 =	sadd.s32 $0x26F0, s9;
	s11 =	smul.u32 $0x50000, s12  }
0xe: {  	[dreg:$0x4] =	wrdreg s26;
	s26 =	simm.s32 $0x2;
	s15 =	sadd.s32 s5, s14  }
0xf: {  	s9 =	simm.s32 $0x0;
	s16 =	sadd.s32 s6, s14;
	[dreg:$0x6] =	wrdreg s15  }
0x10: {  	s18 =	sadd.s32 $0xE, s14;
	s0 =	sadd.s32 $0x17C00, s0;
	[dreg:$0x7] =	wrdreg s16  }
0x11: {  	s10 =	sadd.s32 $0x1C, s14;
	s25 =	smax.u32 s7, $0x1;
	[dreg:$0xd] =	wrdreg s0  }
0x12: {  	s7 =	simm.s32 $0x6;
	s19 =	sadd.s32 s5, s18;
	[dreg:$0xe] =	wrdreg s25  }
0x13: {  	s20 =	sadd.s32 s6, s18;
	s11 =	sshrl.u32 s11, $0x2;
	[dreg:$0x8] =	wrdreg s19  }
0x14: {  	s22 =	sadd.s32 s5, s10;
	s23 =	sadd.s32 s6, s10;
	[dreg:$0x9] =	wrdreg s20  }
0x15: {  	s18 =	simm.s32 $0x180;
	s25 =	simm.s32 $0x300;
	[dreg:$0xa] =	wrdreg s22  }
0x16: {  	s0 =	simm.s32 $0x7300;
	[dreg:$0xb] =	wrdreg s23;
	s24 =	sadd.s32 s11, s2  }
0x17: {  	s19 =	simm.s32 $0x80;
	s20 =	simm.s32 $0x200;
	s22 =	simm.s32 $0x280  }
0x18: {  	s23 =	simm.s32 $0x1;
	[dreg:$0xc] =	wrdreg s24;
	s24 =	simm.s32 $0x70  }
.LBB2_1:
0x19: {  	s8 =	rddreg [dreg:$0x6]  }
0x1a: {  	[tilespmem:s4], [sflag:$0x1] =	stream.linear.gather [hbm4b:s8+s4], $0x70, $0x38;
	[tilespmem:$0x1EB00] =	vst v63  }
0x1b: {  	s15 =	rddreg [dreg:$0x7]  }
0x1c: {  	[tilespmem:s18], [sflag:$0x1] =	stream.linear.gather [hbm4b:s15+s4], $0x70, $0x38;
	[tilespmem:$0x1EB00] =	vst v63  }
0x1d: {  	s16 =	rddreg [dreg:$0x8]  }
0x1e: {  	[tilespmem:s19], [sflag:$0x2] =	stream.linear.gather [hbm4b:s16+s4], $0x70, $0x38;
	[tilespmem:$0x1EB00] =	vst v63  }
0x1f: {  	s10 =	rddreg [dreg:$0x9]  }
0x20: {  	[tilespmem:s20], [sflag:$0x2] =	stream.linear.gather [hbm4b:s10+s4], $0x70, $0x38;
	[tilespmem:$0x1EB00] =	vst v63  }
0x21: {  	s11 =	rddreg [dreg:$0xa]  }
0x22: {  	[tilespmem:s21], [sflag:$0x3] =	stream.linear.gather [hbm4b:s11+s4], $0x70, $0x38;
	[tilespmem:$0x1EB00] =	vst v63  }
0x23: {  	s12 =	rddreg [dreg:$0xb]  }
0x24: {  	[tilespmem:s22], [sflag:$0x3] =	stream.linear.gather [hbm4b:s12+s4], $0x70, $0x38;
	[tilespmem:$0x1EB00] =	vst v63  }
0x25: {  	_ =	swait.ge [sflag:s23], $0x70  }
0x26: {  	[sflag:s23] =	ssyncset.done $0x0  }
0x27: {  	[sflag:s23] =	ssyncadd.s32 $0xFFFFFF90  }
0x28: {  	_ =	swait.ge [sflag:s23], $0x70  }
0x29: {  	[sflag:s23] =	ssyncset.done $0x0  }
0x2a: {  	[sflag:s23] =	ssyncadd.s32 $0xFFFFFF90  }
0x2b: {  	[tilespmem:s25], [sflag:$0x4] =	stream.indirect.gather [hbm4b:s1+s24], $0x80, s4, s24, $0xb8;
	[tilespmem:$0x1EB00] =	vst v63  }
0x2c: {  	_ =	swait.ge [sflag:s26], $0x70  }
0x2d: {  	[sflag:s26] =	ssyncset.done $0x0  }
0x2e: {  	s13 =	stileid.u32;
	[sflag:s26] =	ssyncadd.s32 $0xFFFFFF90  }
0x2f: {  	s10 =	sshll.u32 s13, $0x6;
	_ =	swait.ge [sflag:s26], $0x70  }
0x30: {  	s10 =	sor.u32 $0x1C07, s10;
	[sflag:s26] =	ssyncset.done $0x0;
	s14 =	rddreg [dreg:$0xc]  }
0x31: {  	s15 =	rddreg [dreg:$0x5];
	[sflag:s26] =	ssyncadd.s32 $0xFFFFFF90;
	s11 =	sshrl.u32 s14, $0x3  }
0x32: {  	[tilespmem:s28], [sflag:$0x5] =	stream.indirect.gather [hbm4b:s1+s24], $0x80, s19, s24, $0xb8;
	[tilespmem:$0x1EB00] =	vst v63  }
0x33: {  	[spmem:s11], [sflag:s10] =	dma.local [hbm:s15], $0x2800  }
0x34: {  	_ =	swait.ge [sflag:s29], $0x2800  }
0x35: {  	[sflag:s29] =	ssyncset.done $0x0  }
0x36: {  	[sflag:s29] =	ssyncadd.s32 $0xFFFFD800  }
0x37: {  	[bflag:$0x0] =	sbarrier.arrive $0xFFFF  }
0x38: {  	_ =	swait.ge [sflag:s30], $0x3800  }
0x39: {  	[sflag:s30] =	ssyncset.done $0x0  }
0x3a: {  	[sflag:s30] =	ssyncadd.s32 $0xFFFFC800  }
0x3b: {  	_ =	swait.ge [sflag:s31], $0x70  }
0x3c: {  	[sflag:s31] =	ssyncset.done $0x0  }
0x3d: {  	[sflag:s31] =	ssyncadd.s32 $0xFFFFFF90  }
0x3e: {  	_ =	swait.ge [sflag:s31], $0x70  }
0x3f: {  	[sflag:s31] =	ssyncset.done $0x0  }
0x40: {  	[sflag:s31] =	ssyncadd.s32 $0xFFFFFF90  }
0x41: {  	[tilespmem:s0], [sflag:$0x6] =	stream.indirect.gather [hbm4b:s1+s24], $0x80, s21, s24, $0xb8;
	[tilespmem:$0x1EB00] =	vst v63  }
0x42: {  	_ = 	snop  }
0x43: {  	[spmem:s2] =	stream.indirect.scatter.add.f32 [tilespmem:s25], [sflag:$0x7], $0x80, s18, s24, $0xb8;
	[tilespmem:$0x1EB00] =	vst v63  }
0x44: {  	_ =	swait.ge [sflag:s29], $0x3800  }
0x45: {  	s12 =	rddreg [dreg:$0x4]  }
0x46: {  	s12 =	sadd.s32 $0xFFFFD8A0, s12  }
0x47: {  	s13 =	sadd.s32 $0x28B0, s12  }
0x48: {  	s14 =	smov.u32 s17;
	p0 =	slt.s32 s13, s17  }
0x49: {  	s14 =	smov.u32 @p0 s13  }
0x4a: {  	[sflag:s29] =	ssyncset.done $0x0;
	s13 =	sshrl.u32 s14, $0x3  }
0x4b: {  	[sflag:s29] =	ssyncadd.s32 $0xFFFFC800;
	s14 =	sadd.s32 s5, s13  }
0x4c: {  	[tilespmem:s4], [sflag:$0x1] =	stream.linear.gather [hbm4b:s14+s4], $0x70, $0x38;
	[tilespmem:$0x1EB00] =	vst v63  }
0x4d: {  	s13 =	sadd.s32 s6, s13  }
0x4e: {  	[tilespmem:s18], [sflag:$0x1] =	stream.linear.gather [hbm4b:s13+s4], $0x70, $0x38;
	[tilespmem:$0x1EB00] =	vst v63  }
0x4f: {  	_ =	swait.ge [sflag:s3], $0x3800  }
0x50: {  	[sflag:s3] =	ssyncset.done $0x0  }
0x51: {  	[sflag:s3] =	ssyncadd.s32 $0xFFFFC800  }
0x52: {  	_ =	swait.ge [sflag:s23], $0x70  }
0x53: {  	[sflag:s23] =	ssyncset.done $0x0  }
0x54: {  	[sflag:s23] =	ssyncadd.s32 $0xFFFFFF90  }
0x55: {  	_ =	swait.ge [sflag:s23], $0x70  }
0x56: {  	[sflag:s23] =	ssyncset.done $0x0  }
0x57: {  	s13 =	sadd.s32 $0x2920, s12;
	[sflag:s23] =	ssyncadd.s32 $0xFFFFFF90  }
0x58: {  	[tilespmem:s25], [sflag:$0x4] =	stream.indirect.gather [hbm4b:s1+s24], $0x80, s4, s24, $0xb8;
	[tilespmem:$0x1EB00] =	vst v63  }
0x59: {  	s14 =	smov.u32 s17;
	p0 =	slt.s32 s13, s17  }
0x5a: {  	[spmem:s2] =	stream.indirect.scatter.add.f32 [tilespmem:s28], [sflag:$0x7], $0x80, s20, s24, $0xb8;
	[tilespmem:$0x1EB00] =	vst v63  }
0x5b: {  	s14 =	smov.u32 @p0 s13;
	_ =	swait.ge [sflag:s29], $0x3800  }
0x5c: {  	s13 =	sshrl.u32 s14, $0x3;
	[sflag:s29] =	ssyncset.done $0x0  }
0x5d: {  	s14 =	sadd.s32 s5, s13;
	[sflag:s29] =	ssyncadd.s32 $0xFFFFC800  }
0x5e: {  	[tilespmem:s19], [sflag:$0x2] =	stream.linear.gather [hbm4b:s14+s4], $0x70, $0x38;
	[tilespmem:$0x1EB00] =	vst v63  }
0x5f: {  	s13 =	sadd.s32 s6, s13  }
0x60: {  	[tilespmem:s20], [sflag:$0x2] =	stream.linear.gather [hbm4b:s13+s4], $0x70, $0x38;
	[tilespmem:$0x1EB00] =	vst v63  }
0x61: {  	_ =	swait.ge [sflag:s7], $0x3800  }
0x62: {  	[sflag:s7] =	ssyncset.done $0x0  }
0x63: {  	[sflag:s7] =	ssyncadd.s32 $0xFFFFC800  }
0x64: {  	_ =	swait.ge [sflag:s26], $0x70  }
0x65: {  	[sflag:s26] =	ssyncset.done $0x0  }
0x66: {  	[sflag:s26] =	ssyncadd.s32 $0xFFFFFF90  }
0x67: {  	_ =	swait.ge [sflag:s26], $0x70  }
0x68: {  	[sflag:s26] =	ssyncset.done $0x0  }
0x69: {  	s12 =	sadd.s32 $0x2990, s12;
	[sflag:s26] =	ssyncadd.s32 $0xFFFFFF90  }
0x6a: {  	[tilespmem:s28], [sflag:$0x5] =	stream.indirect.gather [hbm4b:s1+s24], $0x80, s19, s24, $0xb8;
	[tilespmem:$0x1EB00] =	vst v63  }
0x6b: {  	p0 =	slt.s32 s12, s17;
	s13 =	smov.u32 s17  }
0x6c: {  	[spmem:s2] =	stream.indirect.scatter.add.f32 [tilespmem:s0], [sflag:$0x7], $0x80, s22, s24, $0xb8;
	[tilespmem:$0x1EB00] =	vst v63  }
0x6d: {  	s13 =	smov.u32 @p0 s12;
	_ =	swait.ge [sflag:s29], $0x3800  }
0x6e: {  	s12 =	simm.s32 $0xFFFFD9F0;
	s13 =	sshrl.u32 s13, $0x3;
	[sflag:s29] =	ssyncset.done $0x0  }
0x6f: {  	s16 =	sadd.s32 s5, s13;
	s13 =	sadd.s32 s6, s13;
	[sflag:s29] =	ssyncadd.s32 $0xFFFFC800  }
0x70: {  	[tilespmem:s21], [sflag:$0x3] =	stream.linear.gather [hbm4b:s16+s4], $0x70, $0x38;
	[tilespmem:$0x1EB00] =	vst v63  }
.LBB2_2:
0x71: {  	[tilespmem:s22], [sflag:$0x3] =	stream.linear.gather [hbm4b:s13+s4], $0x70, $0x38;
	[tilespmem:$0x1EB00] =	vst v63  }
0x72: {  	_ =	swait.ge [sflag:s30], $0x3800  }
0x73: {  	[sflag:s30] =	ssyncset.done $0x0  }
0x74: {  	[sflag:s30] =	ssyncadd.s32 $0xFFFFC800  }
0x75: {  	_ =	swait.ge [sflag:s31], $0x70  }
0x76: {  	[sflag:s31] =	ssyncset.done $0x0  }
0x77: {  	[sflag:s31] =	ssyncadd.s32 $0xFFFFFF90  }
0x78: {  	_ =	swait.ge [sflag:s31], $0x70  }
0x79: {  	[sflag:s31] =	ssyncset.done $0x0  }
0x7a: {  	[sflag:s31] =	ssyncadd.s32 $0xFFFFFF90  }
0x7b: {  	[tilespmem:s0], [sflag:$0x6] =	stream.indirect.gather [hbm4b:s1+s24], $0x80, s21, s24, $0xb8;
	[tilespmem:$0x1EB00] =	vst v63  }
0x7c: {  	_ = 	snop  }
0x7d: {  	[spmem:s2] =	stream.indirect.scatter.add.f32 [tilespmem:s25], [sflag:$0x7], $0x80, s18, s24, $0xb8;
	[tilespmem:$0x1EB00] =	vst v63  }
0x7e: {  	_ =	swait.ge [sflag:s29], $0x3800  }
0x7f: {  	s15 =	smov.u32 s12;
	s14 =	rddreg [dreg:$0x4]  }
0x80: {  	s13 =	sadd.s32 s15, s14  }
0x81: {  	s14 =	sadd.s32 $0x28B0, s13  }
0x82: {  	s8 =	smov.u32 s17;
	p1 =	slt.s32 s14, s17  }
0x83: {  	[sflag:s29] =	ssyncset.done $0x0;
	s15 =	sadd.s32 $0x2920, s13;
	s8 =	smov.u32 @p1 s14  }
0x84: {  	p2 =	slt.s32 s15, s17;
	s14 =	smov.u32 s17;
	s8 =	sshrl.u32 s8, $0x3  }
0x85: {  	[sflag:s29] =	ssyncadd.s32 $0xFFFFC800;
	s14 =	smov.u32 @p2 s15;
	s15 =	sadd.s32 s5, s8  }
0x86: {  	[tilespmem:s4], [sflag:$0x1] =	stream.linear.gather [hbm4b:s15+s4], $0x70, $0x38;
	[tilespmem:$0x1EB00] =	vst v63  }
0x87: {  	s8 =	sadd.s32 s6, s8  }
0x88: {  	[tilespmem:s18], [sflag:$0x1] =	stream.linear.gather [hbm4b:s8+s4], $0x70, $0x38;
	[tilespmem:$0x1EB00] =	vst v63  }
0x89: {  	_ =	swait.ge [sflag:s3], $0x3800  }
0x8a: {  	[sflag:s3] =	ssyncset.done $0x0  }
0x8b: {  	[sflag:s3] =	ssyncadd.s32 $0xFFFFC800  }
0x8c: {  	_ =	swait.ge [sflag:s23], $0x70  }
0x8d: {  	[sflag:s23] =	ssyncset.done $0x0  }
0x8e: {  	[sflag:s23] =	ssyncadd.s32 $0xFFFFFF90  }
0x8f: {  	_ =	swait.ge [sflag:s23], $0x70  }
0x90: {  	[sflag:s23] =	ssyncset.done $0x0  }
0x91: {  	[sflag:s23] =	ssyncadd.s32 $0xFFFFFF90  }
0x92: {  	[tilespmem:s25], [sflag:$0x4] =	stream.indirect.gather [hbm4b:s1+s24], $0x80, s4, s24, $0xb8;
	[tilespmem:$0x1EB00] =	vst v63  }
0x93: {  	s13 =	sadd.s32 $0x2990, s13  }
0x94: {  	[spmem:s2] =	stream.indirect.scatter.add.f32 [tilespmem:s28], [sflag:$0x7], $0x80, s20, s24, $0xb8;
	[tilespmem:$0x1EB00] =	vst v63  }
0x95: {  	s16 =	smov.u32 s17;
	p3 =	slt.s32 s13, s17;
	_ =	swait.ge [sflag:s29], $0x3800  }
0x96: {  	s16 =	smov.u32 @p3 s13;
	s14 =	sshrl.u32 s14, $0x3;
	[sflag:s29] =	ssyncset.done $0x0  }
0x97: {  	s13 =	sshrl.u32 s16, $0x3;
	s16 =	sadd.s32 s5, s14;
	[sflag:s29] =	ssyncadd.s32 $0xFFFFC800  }
0x98: {  	[tilespmem:s19], [sflag:$0x2] =	stream.linear.gather [hbm4b:s16+s4], $0x70, $0x38;
	[tilespmem:$0x1EB00] =	vst v63  }
0x99: {  	s15 =	sadd.s32 s6, s14  }
0x9a: {  	[tilespmem:s20], [sflag:$0x2] =	stream.linear.gather [hbm4b:s15+s4], $0x70, $0x38;
	[tilespmem:$0x1EB00] =	vst v63  }
0x9b: {  	_ =	swait.ge [sflag:s7], $0x3800  }
0x9c: {  	[sflag:s7] =	ssyncset.done $0x0  }
0x9d: {  	[sflag:s7] =	ssyncadd.s32 $0xFFFFC800  }
0x9e: {  	_ =	swait.ge [sflag:s26], $0x70  }
0x9f: {  	[sflag:s26] =	ssyncset.done $0x0  }
0xa0: {  	[sflag:s26] =	ssyncadd.s32 $0xFFFFFF90  }
0xa1: {  	_ =	swait.ge [sflag:s26], $0x70  }
0xa2: {  	[sflag:s26] =	ssyncset.done $0x0  }
0xa3: {  	[sflag:s26] =	ssyncadd.s32 $0xFFFFFF90  }
0xa4: {  	[tilespmem:s28], [sflag:$0x5] =	stream.indirect.gather [hbm4b:s1+s24], $0x80, s19, s24, $0xb8;
	[tilespmem:$0x1EB00] =	vst v63  }
0xa5: {  	p0 =	sne.s32 s12, $0xFFFFFEB0  }
0xa6: {  	[spmem:s2] =	stream.indirect.scatter.add.f32 [tilespmem:s0], [sflag:$0x7], $0x80, s22, s24, $0xb8;
	[tilespmem:$0x1EB00] =	vst v63  }
.Ltmp0:
0xa7: {  	_ = 	snop;
	(pc) =	sbr.rel @p0 .LBB2_2-.Ltmp0, $4  }
0xa8: {  	_ =	swait.ge [sflag:s29], $0x3800  }
0xa9: {  	s12 =	sadd.s32 $0x150, s12;
	[sflag:s29] =	ssyncset.done $0x0  }
0xaa: {  	s16 =	sadd.s32 s5, s13;
	s13 =	sadd.s32 s6, s13;
	[sflag:s29] =	ssyncadd.s32 $0xFFFFC800  }
0xab: {  	[tilespmem:s21], [sflag:$0x3] =	stream.linear.gather [hbm4b:s16+s4], $0x70, $0x38;
	[tilespmem:$0x1EB00] =	vst v63  }
0xac: {  	[tilespmem:s22], [sflag:$0x3] =	stream.linear.gather [hbm4b:s13+s4], $0x70, $0x38;
	[tilespmem:$0x1EB00] =	vst v63  }
0xad: {  	_ =	swait.ge [sflag:s30], $0x3800  }
0xae: {  	[sflag:s30] =	ssyncset.done $0x0  }
0xaf: {  	[sflag:s30] =	ssyncadd.s32 $0xFFFFC800  }
0xb0: {  	_ =	swait.ge [sflag:s3], $0x3800  }
0xb1: {  	[sflag:s3] =	ssyncset.done $0x0  }
0xb2: {  	[sflag:s3] =	ssyncadd.s32 $0xFFFFC800  }
0xb3: {  	_ =	swait.ge [sflag:s31], $0x70  }
0xb4: {  	[sflag:s31] =	ssyncset.done $0x0  }
0xb5: {  	[sflag:s31] =	ssyncadd.s32 $0xFFFFFF90  }
0xb6: {  	_ =	swait.ge [sflag:s31], $0x70  }
0xb7: {  	[sflag:s31] =	ssyncset.done $0x0  }
0xb8: {  	[sflag:s31] =	ssyncadd.s32 $0xFFFFFF90  }
0xb9: {  	[bflag:$0x0] =	sbarrier.arrive $0xFFFF  }
0xba: {  	s8 =	rddreg [dreg:$0xd]  }
0xbb: {  	[hbm:s8], [sflag:s10] =	dma.local [spmem:s11], $0x2800  }
0xbc: {  	_ =	swait.ge [sflag:s29], $0x2800  }
0xbd: {  	s9 =	sadd.s32 $0x1, s9;
	s16 =	rddreg [dreg:$0xe]  }
0xbe: {  	p0 =	sne.s32 s9, s16  }
.Ltmp1:
0xbf: {  	_ = 	snop;
	(pc) =	sbr.rel @p0 .LBB2_1-.Ltmp1, $3  }
0xc0: {  	_ =	sdelay $0x1  }
0xc1: {  	[sflag:s29] =	ssyncset.done $0x0  }
0xc2: {  	[sflag:s29] =	ssyncadd.s32 $0xFFFFD800  }
0xc3: {  	_ =	sfence.sel $0x180000  }
0xc4: {  	[bflag:$0x0] =	sbarrier.arrive $0xFFFF  }
0xc5: {  	_ =	strace $0x90000047  }
0xc6: {  	s0 =	stileid.u32;
	[bflag:$0x2] =	sbarrier.arrive $0xFFFF  }
0xc7: {  	p0 =	sne.s32 s0, $0x0;
	s0 =	rddreg [dreg:$0x3]  }
0xc8: {  	s0 =	sadd.s32 @!p0 $0x100000, s0  }
0xc9: {  	[sflag:s0] =	ssyncadd.tile.s32 @!p0 $0x1;
	_ =	shalt  }
.Lfunc_end2:
_tile_overlayer_lowered:
.L_overlay_start_2:
0xca: {  	(tag) =	ssettag $0x2  }
0xcb: {  	s0 =	rddreg [dreg:$0x0];
	s2 =	stileid.u32  }
0xcc: {  	s1 =	rddreg [dreg:$0x1];
	p0 =	sne.s32 s2, $0x0  }
0xcd: {  	s3 =	rddreg [dreg:$0x2];
	[bflag:$0x3] =	sbarrier.arrive $0xFFFF;
	s2 =	simm.s32 @!p0 $0x1C07  }
0xce: {  	[timem:s3], [sflag:s2] =	dma.local @!p0 [hbm:s0], s1  }
0xcf: {  	s0 =	simm.s32 @!p0 $0x7  }
0xd0: {  	_ =	swait.ge @!p0 [sflag:s0], s1  }
0xd1: {  	s1 =	ssub.s32 @!p0 $0x0, s1;
	[sflag:s0] =	ssyncset.done @!p0 $0x0  }
0xd2: {  	[sflag:s0] =	ssyncadd.s32 @!p0 s1  }
0xd3: {  	[bflag:$0x3] =	sbarrier.arrive $0xFFFF  }
0xd4: {  	_ =	shalt  }

</sc_bundles>
